<compile_context>
chip_gen: v7x
topology: tpu7x:2x2x1
jax: 0.10.2.dev20260603
libtpu: 0.0.44.dev20260713+nightly
codegen_flags: <defaults>
</compile_context>

<pallas_src>
import functools

import jax
import jax.numpy as jnp
from jax import lax
from jax.experimental import pallas as pl
from jax.experimental.pallas import tpu as pltpu
from jax.experimental.pallas import tpu_sc as plsc

V = 100000
H = 128
E = 256
B = 1024
NC, NS = 2, 16
NW = NC * NS
GPW = 4

W_CH = 4352
K_SC = 7
CS = K_SC * W_CH

TVF = 2176
KOFF = CS // TVF
NF = pl.cdiv(V, TVF) - KOFF


def _mm_body(e_ref, w_ref, b_ref, out_ref):
    out_ref[...] = lax.dot_general(
        e_ref[...], w_ref[...], (((1,), (1,)), ((), ())),
        preferred_element_type=jnp.float32,
    ) + b_ref[...]


def _combined_table(embed_table, W_lm, b2):
    return pl.pallas_call(
        _mm_body,
        grid=(K_SC,),
        in_specs=[
            pl.BlockSpec((E, H), lambda v: (0, 0)),
            pl.BlockSpec((W_CH, H), lambda v: (v, 0)),
            pl.BlockSpec((1, W_CH), lambda v: (0, v)),
        ],
        out_specs=pl.BlockSpec((E, W_CH), lambda v: (0, v)),
        out_shape=jax.ShapeDtypeStruct((E, CS), jnp.float32),
    )(embed_table, W_lm, b2)


_mesh = plsc.VectorSubcoreMesh(core_axis_name="c", subcore_axis_name="s")


@functools.partial(
    pl.kernel,
    out_type=jax.ShapeDtypeStruct((B, V), jnp.float32),
    mesh=_mesh,
    scratch_types=[
        pltpu.VMEM((GPW, 8), jnp.int32),
        pltpu.VMEM((8, W_CH), jnp.float32),
        pltpu.SemaphoreType.DMA,
    ],
)
def _sc_gather(comb_hbm, idx_hbm, out_hbm, idx_v, buf, sem):
    wid = lax.axis_index("s") * NC + lax.axis_index("c")
    pltpu.sync_copy(idx_hbm.at[wid], idx_v)
    for m in range(GPW):
        row0 = pl.multiple_of((wid * GPW + m) * 8, 8)
        idxrow = idx_v.at[m]

        def body(c, carry):
            off = pl.multiple_of(c * W_CH, 128)
            src = comb_hbm.at[pl.ds(0, E), pl.ds(off, W_CH)]
            pltpu.async_copy(src.at[idxrow], buf, sem).wait()
            pltpu.sync_copy(buf, out_hbm.at[pl.ds(row0, 8), pl.ds(off, W_CH)])
            return carry

        lax.fori_loop(0, K_SC, body, 0)


def _fused_body(ids_ref, e_ref, w_ref, b_ref, alias_ref, out_ref, oh_ref):
    @pl.when(pl.program_id(0) == 0)
    def _():
        ids = ids_ref[...]
        iota = lax.broadcasted_iota(jnp.int32, (B, E), 1)
        oh_ref[...] = (ids == iota).astype(jnp.bfloat16)

    comb = lax.dot_general(
        e_ref[...], w_ref[...], (((1,), (1,)), ((), ())),
        preferred_element_type=jnp.float32,
    ) + b_ref[...]
    out_ref[...] = jnp.dot(oh_ref[...], comb.astype(jnp.bfloat16),
                           preferred_element_type=jnp.float32)


def _fused_tc(ids, embed_table, W_lm, b2, sc_out):
    return pl.pallas_call(
        _fused_body,
        grid=(NF,),
        in_specs=[
            pl.BlockSpec((B, 1), lambda j: (0, 0)),
            pl.BlockSpec((E, H), lambda j: (0, 0)),
            pl.BlockSpec((TVF, H), lambda j: (KOFF + j, 0)),
            pl.BlockSpec((1, TVF), lambda j: (0, KOFF + j)),
            pl.BlockSpec((8, 128), lambda j: (0, 0)),
        ],
        out_specs=pl.BlockSpec((B, TVF), lambda j: (0, KOFF + j)),
        out_shape=jax.ShapeDtypeStruct((B, V), jnp.float32),
        scratch_shapes=[pltpu.VMEM((B, E), jnp.bfloat16)],
        input_output_aliases={4: 0},
    )(ids, embed_table, W_lm, b2, sc_out)


def kernel(input_ids, embed_table, W_lm, b_lm):
    b2 = b_lm.reshape(1, V)
    combined = _combined_table(embed_table, W_lm, b2)
    ids_sc = input_ids.reshape(NW, GPW, 8).astype(jnp.int32)
    sc_out = _sc_gather(combined, ids_sc)
    out = _fused_tc(input_ids.reshape(B, 1).astype(jnp.int32),
                    embed_table, W_lm, b2, sc_out)
    return out.reshape(32, 32, V)

# --- scband reference (transcript-rebuilt; emitter-appended) ---
"""Pipeline reference for scband-dummy-model-39651138076839 (READ-ONLY COPY).

The authoritative reference and input builder live on the scoring server;
editing this copy changes nothing except your own understanding.
"""

import jax, jax.numpy as jnp
import numpy as np


def setup_inputs(seed: int = 0) -> dict:
    key = jax.random.key(seed)
    k1, k2, k3 = jax.random.split(key, 3)
    input_ids = jax.random.randint(k1, (32, 32), 0, 256)
    # torch.nn.Embedding(256, hidden_size=128)
    embed_table = jax.random.normal(k2, (256, 128), dtype=jnp.float32) * 0.02
    # torch.nn.Linear(128, 100000): weight [out, in], bias [out]
    W_lm = jax.random.normal(k3, (100000, 128), dtype=jnp.float32) * 0.02
    b_lm = jnp.zeros((100000,), dtype=jnp.float32)
    return {"input_ids": input_ids, "embed_table": embed_table, "W_lm": W_lm, "b_lm": b_lm}


def reference(input_ids, embed_table, W_lm, b_lm):
    # hidden = self.embed(input_ids)
    hidden = jnp.take(embed_table, input_ids, axis=0)  # [B, L, H]
    # logits = self.lm_head(hidden)
    logits = jnp.einsum('blh,vh->blv', hidden, W_lm) + b_lm  # [B, L, V]
    return logits

if __name__ == "__main__":
    import jax
    _d = setup_inputs()
    print(jax.jit(kernel)(*tuple(_d.values())))

</pallas_src>

<mosaic_0001>
#map = affine_map<(d0, d1) -> (0, 0)>
#map1 = affine_map<(d0, d1) -> (0, 0, 0)>
module attributes {stable_mosaic.version = 14 : i64} {
  func.func @_sc_gather(%arg0: i32, %arg1: i32, %arg2: memref<256x30464xf32, #tpu.memory_space<hbm>>, %arg3: memref<32x4x8xi32, #tpu.memory_space<hbm>>, %arg4: memref<1024x100000xf32, #tpu.memory_space<hbm>>, %arg5: memref<4x8xi32, #tpu.memory_space<vmem>>, %arg6: memref<8x4352xf32, #tpu.memory_space<vmem>>, %arg7: memref<!tpu.dma_semaphore, #tpu.memory_space<semaphore_mem>>) attributes {dimension_semantics = [#tpu.dimension_semantics<core_parallel>, #tpu.dimension_semantics<subcore_parallel>], iteration_bounds = array<i64: 2, 16>, scalar_prefetch = 0 : i64, scratch_operands = 3 : i64, tpu.core_type = #tpu.core_type<sc_vector_subcore>, window_params = [{transform_indices = #map}, {transform_indices = #map1}, {transform_indices = #map}]} {
    %mul3A = arith.constant 2 : i32
    %mul3A_0 = arith.muli %arg1, %mul3A : i32
    %add3A = arith.addi %mul3A_0, %arg0 : i32
    "tpu.region"() ({
      %run_scoped3A = tpu.sem_alloc : memref<!tpu.dma_semaphore, #tpu.memory_space<semaphore_mem>>
      %dma_start3A = arith.constant 0 : i32
      %dma_start3A_55 = arith.constant 0 : i32
      %dma_start3A_56 = tpu.memref_slice %arg3[%add3A, %dma_start3A, %dma_start3A_55] : memref<32x4x8xi32, #tpu.memory_space<hbm>> -> memref<1x4x8xi32, #tpu.memory_space<hbm>>
      %dma_start3A_57 = tpu.memref_squeeze %dma_start3A_56 : memref<1x4x8xi32, #tpu.memory_space<hbm>> -> memref<4x8xi32, #tpu.memory_space<hbm>>
      %dma_start3A_58 = arith.constant 0 : i32
      %dma_start3A_59 = arith.constant 0 : i32
      %dma_start3A_60 = tpu.memref_slice %arg3[%add3A, %dma_start3A_58, %dma_start3A_59] : memref<32x4x8xi32, #tpu.memory_space<hbm>> -> memref<1x4x8xi32, #tpu.memory_space<hbm>>
      %dma_start3A_61 = tpu.memref_squeeze %dma_start3A_60 : memref<1x4x8xi32, #tpu.memory_space<hbm>> -> memref<4x8xi32, #tpu.memory_space<hbm>>
      tpu.enqueue_dma source(%dma_start3A_61 : memref<4x8xi32, #tpu.memory_space<hbm>>) target(%arg5 : memref<4x8xi32, #tpu.memory_space<vmem>>) target_semaphore(%run_scoped3A : memref<!tpu.dma_semaphore, #tpu.memory_space<semaphore_mem>>)
      %dma_wait3A = arith.constant 0 : i32
      %dma_wait3A_62 = arith.constant 0 : i32
      %dma_wait3A_63 = tpu.memref_slice %arg3[%add3A, %dma_wait3A, %dma_wait3A_62] : memref<32x4x8xi32, #tpu.memory_space<hbm>> -> memref<1x4x8xi32, #tpu.memory_space<hbm>>
      %dma_wait3A_64 = tpu.memref_squeeze %dma_wait3A_63 : memref<1x4x8xi32, #tpu.memory_space<hbm>> -> memref<4x8xi32, #tpu.memory_space<hbm>>
      %dma_wait3A_65 = arith.constant 0 : i32
      %dma_wait3A_66 = arith.constant 0 : i32
      %dma_wait3A_67 = tpu.memref_slice %arg3[%add3A, %dma_wait3A_65, %dma_wait3A_66] : memref<32x4x8xi32, #tpu.memory_space<hbm>> -> memref<1x4x8xi32, #tpu.memory_space<hbm>>
      %dma_wait3A_68 = tpu.memref_squeeze %dma_wait3A_67 : memref<1x4x8xi32, #tpu.memory_space<hbm>> -> memref<4x8xi32, #tpu.memory_space<hbm>>
      tpu.wait_dma2 semaphore(%run_scoped3A : memref<!tpu.dma_semaphore, #tpu.memory_space<semaphore_mem>>) src(%dma_wait3A_68 : memref<4x8xi32, #tpu.memory_space<hbm>>) dst(%arg5 : memref<4x8xi32, #tpu.memory_space<vmem>>)
      tpu.yield
    }) : () -> ()
    %mul3A_1 = arith.constant 4 : i32
    %mul3A_2 = arith.muli %add3A, %mul3A_1 : i32
    %add3A_3 = arith.constant 0 : i32
    %add3A_4 = arith.addi %mul3A_2, %add3A_3 : i32
    %mul3A_5 = arith.constant 8 : i32
    %mul3A_6 = arith.muli %add3A_4, %mul3A_5 : i32
    %multiple_of3A = tpu.assume_multiple %mul3A_6, 8 : i32
    %scan3A = arith.constant 0 : i32
    %scan3A_7 = arith.constant 0 : i32
    %scan3A_8 = arith.constant 0 : i32
    %scan3A_9 = arith.constant 7 : i32
    %scan3A_10 = arith.addi %scan3A_8, %scan3A_9 : i32
    %scan3A_11 = arith.constant 1 : i32
    scf.for %scan3A_55 = %scan3A_8 to %scan3A_10 step %scan3A_11  : i32 {
      %mul3A_56 = arith.constant 4352 : i32
      %mul3A_57 = arith.muli %scan3A_55, %mul3A_56 : i32
      %multiple_of3A_58 = tpu.assume_multiple %mul3A_57, 128 : i32
      %dma_start3A = arith.constant 0 : i32
      %dma_start3A_59 = tpu.memref_slice %arg5[%scan3A_7, %dma_start3A] : memref<4x8xi32, #tpu.memory_space<vmem>> -> memref<1x8xi32, #tpu.memory_space<vmem>>
      %dma_start3A_60 = tpu.memref_squeeze %dma_start3A_59 : memref<1x8xi32, #tpu.memory_space<vmem>> -> memref<8xi32, #tpu.memory_space<vmem>>
      %dma_start3A_61 = arith.constant 0 : i32
      %dma_start3A_62 = tpu.memref_slice %arg2[%dma_start3A_61, %multiple_of3A_58] : memref<256x30464xf32, #tpu.memory_space<hbm>> -> memref<256x4352xf32, #tpu.memory_space<hbm>>
      %dma_start3A_63 = arith.constant 0 : i32
      %dma_start3A_64 = arith.constant 0 : i32
      %dma_start3A_65 = tpu.memref_slice %dma_start3A_62[%dma_start3A_63, %dma_start3A_64] : memref<256x4352xf32, #tpu.memory_space<hbm>> -> memref<256x4352xf32, #tpu.memory_space<hbm>>
      tpu.enqueue_indirect_dma source(%dma_start3A_65 : memref<256x4352xf32, #tpu.memory_space<hbm>>) target(%arg6 : memref<8x4352xf32, #tpu.memory_space<vmem>>) offsets(%dma_start3A_60 : memref<8xi32, #tpu.memory_space<vmem>>) semaphore(%arg7 : memref<!tpu.dma_semaphore, #tpu.memory_space<semaphore_mem>>)
      %dma_wait3A = arith.constant 0 : i32
      %dma_wait3A_66 = tpu.memref_slice %arg5[%scan3A_7, %dma_wait3A] : memref<4x8xi32, #tpu.memory_space<vmem>> -> memref<1x8xi32, #tpu.memory_space<vmem>>
      %dma_wait3A_67 = tpu.memref_squeeze %dma_wait3A_66 : memref<1x8xi32, #tpu.memory_space<vmem>> -> memref<8xi32, #tpu.memory_space<vmem>>
      %dma_wait3A_68 = arith.constant 0 : i32
      %dma_wait3A_69 = tpu.memref_slice %arg2[%dma_wait3A_68, %multiple_of3A_58] : memref<256x30464xf32, #tpu.memory_space<hbm>> -> memref<256x4352xf32, #tpu.memory_space<hbm>>
      %dma_wait3A_70 = arith.constant 0 : i32
      %dma_wait3A_71 = arith.constant 0 : i32
      %dma_wait3A_72 = tpu.memref_slice %dma_wait3A_69[%dma_wait3A_70, %dma_wait3A_71] : memref<256x4352xf32, #tpu.memory_space<hbm>> -> memref<256x4352xf32, #tpu.memory_space<hbm>>
      tpu.wait_indirect_dma semaphore(%arg7 : memref<!tpu.dma_semaphore, #tpu.memory_space<semaphore_mem>>) src(%dma_wait3A_72 : memref<256x4352xf32, #tpu.memory_space<hbm>>) dst(%arg6 : memref<8x4352xf32, #tpu.memory_space<vmem>>)
      "tpu.region"() ({
        %run_scoped3A = tpu.sem_alloc : memref<!tpu.dma_semaphore, #tpu.memory_space<semaphore_mem>>
        %dma_start3A_73 = tpu.memref_slice %arg4[%multiple_of3A, %multiple_of3A_58] : memref<1024x100000xf32, #tpu.memory_space<hbm>> -> memref<8x4352xf32, #tpu.memory_space<hbm>>
        %dma_start3A_74 = tpu.memref_slice %arg4[%multiple_of3A, %multiple_of3A_58] : memref<1024x100000xf32, #tpu.memory_space<hbm>> -> memref<8x4352xf32, #tpu.memory_space<hbm>>
        tpu.enqueue_dma source(%arg6 : memref<8x4352xf32, #tpu.memory_space<vmem>>) target(%dma_start3A_74 : memref<8x4352xf32, #tpu.memory_space<hbm>>) target_semaphore(%run_scoped3A : memref<!tpu.dma_semaphore, #tpu.memory_space<semaphore_mem>>)
        %dma_wait3A_75 = tpu.memref_slice %arg4[%multiple_of3A, %multiple_of3A_58] : memref<1024x100000xf32, #tpu.memory_space<hbm>> -> memref<8x4352xf32, #tpu.memory_space<hbm>>
        %dma_wait3A_76 = tpu.memref_slice %arg4[%multiple_of3A, %multiple_of3A_58] : memref<1024x100000xf32, #tpu.memory_space<hbm>> -> memref<8x4352xf32, #tpu.memory_space<hbm>>
        tpu.wait_dma2 semaphore(%run_scoped3A : memref<!tpu.dma_semaphore, #tpu.memory_space<semaphore_mem>>) src(%arg6 : memref<8x4352xf32, #tpu.memory_space<vmem>>) dst(%dma_wait3A_76 : memref<8x4352xf32, #tpu.memory_space<hbm>>)
        tpu.yield
      }) : () -> ()
    }
    %scan3A_12 = arith.constant 7 : i32
    %mul3A_13 = arith.constant 4 : i32
    %mul3A_14 = arith.muli %add3A, %mul3A_13 : i32
    %add3A_15 = arith.constant 1 : i32
    %add3A_16 = arith.addi %mul3A_14, %add3A_15 : i32
    %mul3A_17 = arith.constant 8 : i32
    %mul3A_18 = arith.muli %add3A_16, %mul3A_17 : i32
    %multiple_of3A_19 = tpu.assume_multiple %mul3A_18, 8 : i32
    %scan3A_20 = arith.constant 0 : i32
    %scan3A_21 = arith.constant 1 : i32
    %scan3A_22 = arith.constant 0 : i32
    %scan3A_23 = arith.constant 7 : i32
    %scan3A_24 = arith.addi %scan3A_22, %scan3A_23 : i32
    %scan3A_25 = arith.constant 1 : i32
    scf.for %scan3A_55 = %scan3A_22 to %scan3A_24 step %scan3A_25  : i32 {
      %mul3A_56 = arith.constant 4352 : i32
      %mul3A_57 = arith.muli %scan3A_55, %mul3A_56 : i32
      %multiple_of3A_58 = tpu.assume_multiple %mul3A_57, 128 : i32
      %dma_start3A = arith.constant 0 : i32
      %dma_start3A_59 = tpu.memref_slice %arg5[%scan3A_21, %dma_start3A] : memref<4x8xi32, #tpu.memory_space<vmem>> -> memref<1x8xi32, #tpu.memory_space<vmem>>
      %dma_start3A_60 = tpu.memref_squeeze %dma_start3A_59 : memref<1x8xi32, #tpu.memory_space<vmem>> -> memref<8xi32, #tpu.memory_space<vmem>>
      %dma_start3A_61 = arith.constant 0 : i32
      %dma_start3A_62 = tpu.memref_slice %arg2[%dma_start3A_61, %multiple_of3A_58] : memref<256x30464xf32, #tpu.memory_space<hbm>> -> memref<256x4352xf32, #tpu.memory_space<hbm>>
      %dma_start3A_63 = arith.constant 0 : i32
      %dma_start3A_64 = arith.constant 0 : i32
      %dma_start3A_65 = tpu.memref_slice %dma_start3A_62[%dma_start3A_63, %dma_start3A_64] : memref<256x4352xf32, #tpu.memory_space<hbm>> -> memref<256x4352xf32, #tpu.memory_space<hbm>>
      tpu.enqueue_indirect_dma source(%dma_start3A_65 : memref<256x4352xf32, #tpu.memory_space<hbm>>) target(%arg6 : memref<8x4352xf32, #tpu.memory_space<vmem>>) offsets(%dma_start3A_60 : memref<8xi32, #tpu.memory_space<vmem>>) semaphore(%arg7 : memref<!tpu.dma_semaphore, #tpu.memory_space<semaphore_mem>>)
      %dma_wait3A = arith.constant 0 : i32
      %dma_wait3A_66 = tpu.memref_slice %arg5[%scan3A_21, %dma_wait3A] : memref<4x8xi32, #tpu.memory_space<vmem>> -> memref<1x8xi32, #tpu.memory_space<vmem>>
      %dma_wait3A_67 = tpu.memref_squeeze %dma_wait3A_66 : memref<1x8xi32, #tpu.memory_space<vmem>> -> memref<8xi32, #tpu.memory_space<vmem>>
      %dma_wait3A_68 = arith.constant 0 : i32
      %dma_wait3A_69 = tpu.memref_slice %arg2[%dma_wait3A_68, %multiple_of3A_58] : memref<256x30464xf32, #tpu.memory_space<hbm>> -> memref<256x4352xf32, #tpu.memory_space<hbm>>
      %dma_wait3A_70 = arith.constant 0 : i32
      %dma_wait3A_71 = arith.constant 0 : i32
      %dma_wait3A_72 = tpu.memref_slice %dma_wait3A_69[%dma_wait3A_70, %dma_wait3A_71] : memref<256x4352xf32, #tpu.memory_space<hbm>> -> memref<256x4352xf32, #tpu.memory_space<hbm>>
      tpu.wait_indirect_dma semaphore(%arg7 : memref<!tpu.dma_semaphore, #tpu.memory_space<semaphore_mem>>) src(%dma_wait3A_72 : memref<256x4352xf32, #tpu.memory_space<hbm>>) dst(%arg6 : memref<8x4352xf32, #tpu.memory_space<vmem>>)
      "tpu.region"() ({
        %run_scoped3A = tpu.sem_alloc : memref<!tpu.dma_semaphore, #tpu.memory_space<semaphore_mem>>
        %dma_start3A_73 = tpu.memref_slice %arg4[%multiple_of3A_19, %multiple_of3A_58] : memref<1024x100000xf32, #tpu.memory_space<hbm>> -> memref<8x4352xf32, #tpu.memory_space<hbm>>
        %dma_start3A_74 = tpu.memref_slice %arg4[%multiple_of3A_19, %multiple_of3A_58] : memref<1024x100000xf32, #tpu.memory_space<hbm>> -> memref<8x4352xf32, #tpu.memory_space<hbm>>
        tpu.enqueue_dma source(%arg6 : memref<8x4352xf32, #tpu.memory_space<vmem>>) target(%dma_start3A_74 : memref<8x4352xf32, #tpu.memory_space<hbm>>) target_semaphore(%run_scoped3A : memref<!tpu.dma_semaphore, #tpu.memory_space<semaphore_mem>>)
        %dma_wait3A_75 = tpu.memref_slice %arg4[%multiple_of3A_19, %multiple_of3A_58] : memref<1024x100000xf32, #tpu.memory_space<hbm>> -> memref<8x4352xf32, #tpu.memory_space<hbm>>
        %dma_wait3A_76 = tpu.memref_slice %arg4[%multiple_of3A_19, %multiple_of3A_58] : memref<1024x100000xf32, #tpu.memory_space<hbm>> -> memref<8x4352xf32, #tpu.memory_space<hbm>>
        tpu.wait_dma2 semaphore(%run_scoped3A : memref<!tpu.dma_semaphore, #tpu.memory_space<semaphore_mem>>) src(%arg6 : memref<8x4352xf32, #tpu.memory_space<vmem>>) dst(%dma_wait3A_76 : memref<8x4352xf32, #tpu.memory_space<hbm>>)
        tpu.yield
      }) : () -> ()
    }
    %scan3A_26 = arith.constant 7 : i32
    %mul3A_27 = arith.constant 4 : i32
    %mul3A_28 = arith.muli %add3A, %mul3A_27 : i32
    %add3A_29 = arith.constant 2 : i32
    %add3A_30 = arith.addi %mul3A_28, %add3A_29 : i32
    %mul3A_31 = arith.constant 8 : i32
    %mul3A_32 = arith.muli %add3A_30, %mul3A_31 : i32
    %multiple_of3A_33 = tpu.assume_multiple %mul3A_32, 8 : i32
    %scan3A_34 = arith.constant 0 : i32
    %scan3A_35 = arith.constant 2 : i32
    %scan3A_36 = arith.constant 0 : i32
    %scan3A_37 = arith.constant 7 : i32
    %scan3A_38 = arith.addi %scan3A_36, %scan3A_37 : i32
    %scan3A_39 = arith.constant 1 : i32
    scf.for %scan3A_55 = %scan3A_36 to %scan3A_38 step %scan3A_39  : i32 {
      %mul3A_56 = arith.constant 4352 : i32
      %mul3A_57 = arith.muli %scan3A_55, %mul3A_56 : i32
      %multiple_of3A_58 = tpu.assume_multiple %mul3A_57, 128 : i32
      %dma_start3A = arith.constant 0 : i32
      %dma_start3A_59 = tpu.memref_slice %arg5[%scan3A_35, %dma_start3A] : memref<4x8xi32, #tpu.memory_space<vmem>> -> memref<1x8xi32, #tpu.memory_space<vmem>>
      %dma_start3A_60 = tpu.memref_squeeze %dma_start3A_59 : memref<1x8xi32, #tpu.memory_space<vmem>> -> memref<8xi32, #tpu.memory_space<vmem>>
      %dma_start3A_61 = arith.constant 0 : i32
      %dma_start3A_62 = tpu.memref_slice %arg2[%dma_start3A_61, %multiple_of3A_58] : memref<256x30464xf32, #tpu.memory_space<hbm>> -> memref<256x4352xf32, #tpu.memory_space<hbm>>
      %dma_start3A_63 = arith.constant 0 : i32
      %dma_start3A_64 = arith.constant 0 : i32
      %dma_start3A_65 = tpu.memref_slice %dma_start3A_62[%dma_start3A_63, %dma_start3A_64] : memref<256x4352xf32, #tpu.memory_space<hbm>> -> memref<256x4352xf32, #tpu.memory_space<hbm>>
      tpu.enqueue_indirect_dma source(%dma_start3A_65 : memref<256x4352xf32, #tpu.memory_space<hbm>>) target(%arg6 : memref<8x4352xf32, #tpu.memory_space<vmem>>) offsets(%dma_start3A_60 : memref<8xi32, #tpu.memory_space<vmem>>) semaphore(%arg7 : memref<!tpu.dma_semaphore, #tpu.memory_space<semaphore_mem>>)
      %dma_wait3A = arith.constant 0 : i32
      %dma_wait3A_66 = tpu.memref_slice %arg5[%scan3A_35, %dma_wait3A] : memref<4x8xi32, #tpu.memory_space<vmem>> -> memref<1x8xi32, #tpu.memory_space<vmem>>
      %dma_wait3A_67 = tpu.memref_squeeze %dma_wait3A_66 : memref<1x8xi32, #tpu.memory_space<vmem>> -> memref<8xi32, #tpu.memory_space<vmem>>
      %dma_wait3A_68 = arith.constant 0 : i32
      %dma_wait3A_69 = tpu.memref_slice %arg2[%dma_wait3A_68, %multiple_of3A_58] : memref<256x30464xf32, #tpu.memory_space<hbm>> -> memref<256x4352xf32, #tpu.memory_space<hbm>>
      %dma_wait3A_70 = arith.constant 0 : i32
      %dma_wait3A_71 = arith.constant 0 : i32
      %dma_wait3A_72 = tpu.memref_slice %dma_wait3A_69[%dma_wait3A_70, %dma_wait3A_71] : memref<256x4352xf32, #tpu.memory_space<hbm>> -> memref<256x4352xf32, #tpu.memory_space<hbm>>
      tpu.wait_indirect_dma semaphore(%arg7 : memref<!tpu.dma_semaphore, #tpu.memory_space<semaphore_mem>>) src(%dma_wait3A_72 : memref<256x4352xf32, #tpu.memory_space<hbm>>) dst(%arg6 : memref<8x4352xf32, #tpu.memory_space<vmem>>)
      "tpu.region"() ({
        %run_scoped3A = tpu.sem_alloc : memref<!tpu.dma_semaphore, #tpu.memory_space<semaphore_mem>>
        %dma_start3A_73 = tpu.memref_slice %arg4[%multiple_of3A_33, %multiple_of3A_58] : memref<1024x100000xf32, #tpu.memory_space<hbm>> -> memref<8x4352xf32, #tpu.memory_space<hbm>>
        %dma_start3A_74 = tpu.memref_slice %arg4[%multiple_of3A_33, %multiple_of3A_58] : memref<1024x100000xf32, #tpu.memory_space<hbm>> -> memref<8x4352xf32, #tpu.memory_space<hbm>>
        tpu.enqueue_dma source(%arg6 : memref<8x4352xf32, #tpu.memory_space<vmem>>) target(%dma_start3A_74 : memref<8x4352xf32, #tpu.memory_space<hbm>>) target_semaphore(%run_scoped3A : memref<!tpu.dma_semaphore, #tpu.memory_space<semaphore_mem>>)
        %dma_wait3A_75 = tpu.memref_slice %arg4[%multiple_of3A_33, %multiple_of3A_58] : memref<1024x100000xf32, #tpu.memory_space<hbm>> -> memref<8x4352xf32, #tpu.memory_space<hbm>>
        %dma_wait3A_76 = tpu.memref_slice %arg4[%multiple_of3A_33, %multiple_of3A_58] : memref<1024x100000xf32, #tpu.memory_space<hbm>> -> memref<8x4352xf32, #tpu.memory_space<hbm>>
        tpu.wait_dma2 semaphore(%run_scoped3A : memref<!tpu.dma_semaphore, #tpu.memory_space<semaphore_mem>>) src(%arg6 : memref<8x4352xf32, #tpu.memory_space<vmem>>) dst(%dma_wait3A_76 : memref<8x4352xf32, #tpu.memory_space<hbm>>)
        tpu.yield
      }) : () -> ()
    }
    %scan3A_40 = arith.constant 7 : i32
    %mul3A_41 = arith.constant 4 : i32
    %mul3A_42 = arith.muli %add3A, %mul3A_41 : i32
    %add3A_43 = arith.constant 3 : i32
    %add3A_44 = arith.addi %mul3A_42, %add3A_43 : i32
    %mul3A_45 = arith.constant 8 : i32
    %mul3A_46 = arith.muli %add3A_44, %mul3A_45 : i32
    %multiple_of3A_47 = tpu.assume_multiple %mul3A_46, 8 : i32
    %scan3A_48 = arith.constant 0 : i32
    %scan3A_49 = arith.constant 3 : i32
    %scan3A_50 = arith.constant 0 : i32
    %scan3A_51 = arith.constant 7 : i32
    %scan3A_52 = arith.addi %scan3A_50, %scan3A_51 : i32
    %scan3A_53 = arith.constant 1 : i32
    scf.for %scan3A_55 = %scan3A_50 to %scan3A_52 step %scan3A_53  : i32 {
      %mul3A_56 = arith.constant 4352 : i32
      %mul3A_57 = arith.muli %scan3A_55, %mul3A_56 : i32
      %multiple_of3A_58 = tpu.assume_multiple %mul3A_57, 128 : i32
      %dma_start3A = arith.constant 0 : i32
      %dma_start3A_59 = tpu.memref_slice %arg5[%scan3A_49, %dma_start3A] : memref<4x8xi32, #tpu.memory_space<vmem>> -> memref<1x8xi32, #tpu.memory_space<vmem>>
      %dma_start3A_60 = tpu.memref_squeeze %dma_start3A_59 : memref<1x8xi32, #tpu.memory_space<vmem>> -> memref<8xi32, #tpu.memory_space<vmem>>
      %dma_start3A_61 = arith.constant 0 : i32
      %dma_start3A_62 = tpu.memref_slice %arg2[%dma_start3A_61, %multiple_of3A_58] : memref<256x30464xf32, #tpu.memory_space<hbm>> -> memref<256x4352xf32, #tpu.memory_space<hbm>>
      %dma_start3A_63 = arith.constant 0 : i32
      %dma_start3A_64 = arith.constant 0 : i32
      %dma_start3A_65 = tpu.memref_slice %dma_start3A_62[%dma_start3A_63, %dma_start3A_64] : memref<256x4352xf32, #tpu.memory_space<hbm>> -> memref<256x4352xf32, #tpu.memory_space<hbm>>
      tpu.enqueue_indirect_dma source(%dma_start3A_65 : memref<256x4352xf32, #tpu.memory_space<hbm>>) target(%arg6 : memref<8x4352xf32, #tpu.memory_space<vmem>>) offsets(%dma_start3A_60 : memref<8xi32, #tpu.memory_space<vmem>>) semaphore(%arg7 : memref<!tpu.dma_semaphore, #tpu.memory_space<semaphore_mem>>)
      %dma_wait3A = arith.constant 0 : i32
      %dma_wait3A_66 = tpu.memref_slice %arg5[%scan3A_49, %dma_wait3A] : memref<4x8xi32, #tpu.memory_space<vmem>> -> memref<1x8xi32, #tpu.memory_space<vmem>>
      %dma_wait3A_67 = tpu.memref_squeeze %dma_wait3A_66 : memref<1x8xi32, #tpu.memory_space<vmem>> -> memref<8xi32, #tpu.memory_space<vmem>>
      %dma_wait3A_68 = arith.constant 0 : i32
      %dma_wait3A_69 = tpu.memref_slice %arg2[%dma_wait3A_68, %multiple_of3A_58] : memref<256x30464xf32, #tpu.memory_space<hbm>> -> memref<256x4352xf32, #tpu.memory_space<hbm>>
      %dma_wait3A_70 = arith.constant 0 : i32
      %dma_wait3A_71 = arith.constant 0 : i32
      %dma_wait3A_72 = tpu.memref_slice %dma_wait3A_69[%dma_wait3A_70, %dma_wait3A_71] : memref<256x4352xf32, #tpu.memory_space<hbm>> -> memref<256x4352xf32, #tpu.memory_space<hbm>>
      tpu.wait_indirect_dma semaphore(%arg7 : memref<!tpu.dma_semaphore, #tpu.memory_space<semaphore_mem>>) src(%dma_wait3A_72 : memref<256x4352xf32, #tpu.memory_space<hbm>>) dst(%arg6 : memref<8x4352xf32, #tpu.memory_space<vmem>>)
      "tpu.region"() ({
        %run_scoped3A = tpu.sem_alloc : memref<!tpu.dma_semaphore, #tpu.memory_space<semaphore_mem>>
        %dma_start3A_73 = tpu.memref_slice %arg4[%multiple_of3A_47, %multiple_of3A_58] : memref<1024x100000xf32, #tpu.memory_space<hbm>> -> memref<8x4352xf32, #tpu.memory_space<hbm>>
        %dma_start3A_74 = tpu.memref_slice %arg4[%multiple_of3A_47, %multiple_of3A_58] : memref<1024x100000xf32, #tpu.memory_space<hbm>> -> memref<8x4352xf32, #tpu.memory_space<hbm>>
        tpu.enqueue_dma source(%arg6 : memref<8x4352xf32, #tpu.memory_space<vmem>>) target(%dma_start3A_74 : memref<8x4352xf32, #tpu.memory_space<hbm>>) target_semaphore(%run_scoped3A : memref<!tpu.dma_semaphore, #tpu.memory_space<semaphore_mem>>)
        %dma_wait3A_75 = tpu.memref_slice %arg4[%multiple_of3A_47, %multiple_of3A_58] : memref<1024x100000xf32, #tpu.memory_space<hbm>> -> memref<8x4352xf32, #tpu.memory_space<hbm>>
        %dma_wait3A_76 = tpu.memref_slice %arg4[%multiple_of3A_47, %multiple_of3A_58] : memref<1024x100000xf32, #tpu.memory_space<hbm>> -> memref<8x4352xf32, #tpu.memory_space<hbm>>
        tpu.wait_dma2 semaphore(%run_scoped3A : memref<!tpu.dma_semaphore, #tpu.memory_space<semaphore_mem>>) src(%arg6 : memref<8x4352xf32, #tpu.memory_space<vmem>>) dst(%dma_wait3A_76 : memref<8x4352xf32, #tpu.memory_space<hbm>>)
        tpu.yield
      }) : () -> ()
    }
    %scan3A_54 = arith.constant 7 : i32
    return
  }
}

module attributes {stable_mosaic.version = 14 : i64} {
  func.func @_mm_body(%arg0: i32, %arg1: memref<256x128xf32, #tpu.memory_space<vmem>>, %arg2: memref<4352x128xf32, #tpu.memory_space<vmem>>, %arg3: memref<1x4352xf32, #tpu.memory_space<vmem>>, %arg4: memref<256x4352xf32, #tpu.memory_space<vmem>>) attributes {dimension_semantics = [#tpu.dimension_semantics<arbitrary>], iteration_bounds = array<i64: 7>, scalar_prefetch = 0 : i64, scratch_operands = 0 : i64, tpu.core_type = #tpu.core_type<tc>, window_params = [{pipeline_mode = #tpu.pipeline_mode<synchronous>, transform_indices = @transform_0, window_bounds = array<i64: 256, 128>}, {transform_indices = @transform_1, window_bounds = array<i64: 4352, 128>}, {transform_indices = @transform_2, window_bounds = array<i64: 1, 4352>}, {transform_indices = @transform_3, window_bounds = array<i64: 256, 4352>}]} {
    %get3A = arith.constant 0 : index
    %get3A_0 = arith.constant 0 : index
    %get3A_1 = vector.load %arg1[%get3A, %get3A_0] : memref<256x128xf32, #tpu.memory_space<vmem>>, vector<256x128xf32>
    %get3A_2 = arith.constant 0 : index
    %get3A_3 = arith.constant 0 : index
    %get3A_4 = vector.load %arg2[%get3A_2, %get3A_3] : memref<4352x128xf32, #tpu.memory_space<vmem>>, vector<4352x128xf32>
    %dot_general3A = arith.constant dense<0.000000e+00> : vector<256x4352xf32>
    %dot_general3A_5 = tpu.matmul %get3A_1, %get3A_4, %dot_general3A {dimension_numbers = #tpu.dot_dimension_numbers<[1], [1], [0], [0], [0, 0, 1, 0], [], []>, transpose_lhs_hint = false} : vector<256x128xf32>, vector<4352x128xf32>, vector<256x4352xf32> -> vector<256x4352xf32>
    %get3A_6 = arith.constant 0 : index
    %get3A_7 = arith.constant 0 : index
    %get3A_8 = vector.load %arg3[%get3A_6, %get3A_7] : memref<1x4352xf32, #tpu.memory_space<vmem>>, vector<1x4352xf32>
    %add3A = vector.broadcast %get3A_8 : vector<1x4352xf32> to vector<256x4352xf32>
    %add3A_9 = arith.addf %dot_general3A_5, %add3A : vector<256x4352xf32>
    %swap3A = arith.constant 0 : index
    %swap3A_10 = arith.constant 0 : index
    %swap3A_11 = vector.load %arg4[%swap3A, %swap3A_10] : memref<256x4352xf32, #tpu.memory_space<vmem>>, vector<256x4352xf32>
    tpu.vector_store %arg4[%swap3A, %swap3A_10], %add3A_9 {strides = array<i32>} : memref<256x4352xf32, #tpu.memory_space<vmem>>, vector<256x4352xf32>,
    return
  }
  func.func @transform_0(%arg0: i32) -> (i32, i32) {
    %c0_i32 = arith.constant 0 : i32
    %c0_i32_0 = arith.constant 0 : i32
    %c0_i32_1 = arith.constant 0 : i32
    return %c0_i32, %c0_i32_0 : i32, i32
  }
  func.func @transform_1(%arg0: i32) -> (i32, i32) {
    %c0_i32 = arith.constant 0 : i32
    %c0_i32_0 = arith.constant 0 : i32
    return %arg0, %c0_i32 : i32, i32
  }
  func.func @transform_2(%arg0: i32) -> (i32, i32) {
    %c0_i32 = arith.constant 0 : i32
    %c0_i32_0 = arith.constant 0 : i32
    return %c0_i32, %arg0 : i32, i32
  }
  func.func @transform_3(%arg0: i32) -> (i32, i32) {
    %c0_i32 = arith.constant 0 : i32
    %c0_i32_0 = arith.constant 0 : i32
    return %c0_i32, %arg0 : i32, i32
  }
}

module attributes {stable_mosaic.version = 14 : i64} {
  func.func @_fused_body(%arg0: i32, %arg1: memref<1024x1xi32, #tpu.memory_space<vmem>>, %arg2: memref<256x128xf32, #tpu.memory_space<vmem>>, %arg3: memref<2176x128xf32, #tpu.memory_space<vmem>>, %arg4: memref<1x2176xf32, #tpu.memory_space<vmem>>, %arg5: memref<8x128xf32, #tpu.memory_space<vmem>>, %arg6: memref<1024x2176xf32, #tpu.memory_space<vmem>>, %arg7: memref<1024x256xbf16, #tpu.memory_space<vmem>>) attributes {dimension_semantics = [#tpu.dimension_semantics<arbitrary>], iteration_bounds = array<i64: 32>, scalar_prefetch = 0 : i64, scratch_operands = 1 : i64, tpu.core_type = #tpu.core_type<tc>, window_params = [{pipeline_mode = #tpu.pipeline_mode<synchronous>, transform_indices = @transform_0, window_bounds = array<i64: 1024, 1>}, {pipeline_mode = #tpu.pipeline_mode<synchronous>, transform_indices = @transform_1, window_bounds = array<i64: 256, 128>}, {transform_indices = @transform_2, window_bounds = array<i64: 2176, 128>}, {transform_indices = @transform_3, window_bounds = array<i64: 1, 2176>}, {transform_indices = @transform_4, window_bounds = array<i64: 8, 128>}, {transform_indices = @transform_5, window_bounds = array<i64: 1024, 2176>}]} {
    %eq3A = arith.constant 0 : i32
    %eq3A_0 = arith.cmpi eq, %arg0, %eq3A : i32
    %convert_element_type3A = arith.extui %eq3A_0 : i1 to i32
    %cond3A = arith.constant 0 : i32
    %cond3A_1 = arith.cmpi ne, %convert_element_type3A, %cond3A : i32
    scf.if %cond3A_1 {
      %get3A_20 = arith.constant 0 : index
      %get3A_21 = arith.constant 0 : index
      %get3A_22 = vector.load %arg1[%get3A_20, %get3A_21] : memref<1024x1xi32, #tpu.memory_space<vmem>>, vector<1024x1xi32>
      %iota3A = tpu.iota {dimensions = array<i32: 1>} : vector<1024x256xi32>
      %eq3A_23 = vector.broadcast %get3A_22 : vector<1024x1xi32> to vector<1024x256xi32>
      %eq3A_24 = arith.cmpi eq, %eq3A_23, %iota3A : vector<1024x256xi32>
      %convert_element_type3A_25 = arith.extui %eq3A_24 : vector<1024x256xi1> to vector<1024x256xi32>
      %convert_element_type3A_26 = arith.sitofp %convert_element_type3A_25 : vector<1024x256xi32> to vector<1024x256xf32>
      %convert_element_type3A_27 = arith.truncf %convert_element_type3A_26 : vector<1024x256xf32> to vector<1024x256xbf16>
      %swap3A_28 = arith.constant 0 : index
      %swap3A_29 = arith.constant 0 : index
      %swap3A_30 = vector.load %arg7[%swap3A_28, %swap3A_29] : memref<1024x256xbf16, #tpu.memory_space<vmem>>, vector<1024x256xbf16>
      tpu.vector_store %arg7[%swap3A_28, %swap3A_29], %convert_element_type3A_27 {strides = array<i32>} : memref<1024x256xbf16, #tpu.memory_space<vmem>>, vector<1024x256xbf16>,
    } else {
    }
    %get3A = arith.constant 0 : index
    %get3A_2 = arith.constant 0 : index
    %get3A_3 = vector.load %arg2[%get3A, %get3A_2] : memref<256x128xf32, #tpu.memory_space<vmem>>, vector<256x128xf32>
    %get3A_4 = arith.constant 0 : index
    %get3A_5 = arith.constant 0 : index
    %get3A_6 = vector.load %arg3[%get3A_4, %get3A_5] : memref<2176x128xf32, #tpu.memory_space<vmem>>, vector<2176x128xf32>
    %dot_general3A = arith.constant dense<0.000000e+00> : vector<256x2176xf32>
    %dot_general3A_7 = tpu.matmul %get3A_3, %get3A_6, %dot_general3A {dimension_numbers = #tpu.dot_dimension_numbers<[1], [1], [0], [0], [0, 0, 1, 0], [], []>, transpose_lhs_hint = false} : vector<256x128xf32>, vector<2176x128xf32>, vector<256x2176xf32> -> vector<256x2176xf32>
    %get3A_8 = arith.constant 0 : index
    %get3A_9 = arith.constant 0 : index
    %get3A_10 = vector.load %arg4[%get3A_8, %get3A_9] : memref<1x2176xf32, #tpu.memory_space<vmem>>, vector<1x2176xf32>
    %add3A = vector.broadcast %get3A_10 : vector<1x2176xf32> to vector<256x2176xf32>
    %add3A_11 = arith.addf %dot_general3A_7, %add3A : vector<256x2176xf32>
    %get3A_12 = arith.constant 0 : index
    %get3A_13 = arith.constant 0 : index
    %get3A_14 = vector.load %arg7[%get3A_12, %get3A_13] : memref<1024x256xbf16, #tpu.memory_space<vmem>>, vector<1024x256xbf16>
    %convert_element_type3A_15 = arith.truncf %add3A_11 : vector<256x2176xf32> to vector<256x2176xbf16>
    %dot_general3A_16 = arith.constant dense<0.000000e+00> : vector<1024x2176xf32>
    %dot_general3A_17 = tpu.matmul %get3A_14, %convert_element_type3A_15, %dot_general3A_16 {dimension_numbers = #tpu.dot_dimension_numbers<[1], [0], [0], [1], [0, 0, 1, 1], [], []>, transpose_lhs_hint = false} : vector<1024x256xbf16>, vector<256x2176xbf16>, vector<1024x2176xf32> -> vector<1024x2176xf32>
    %swap3A = arith.constant 0 : index
    %swap3A_18 = arith.constant 0 : index
    %swap3A_19 = vector.load %arg6[%swap3A, %swap3A_18] : memref<1024x2176xf32, #tpu.memory_space<vmem>>, vector<1024x2176xf32>
    tpu.vector_store %arg6[%swap3A, %swap3A_18], %dot_general3A_17 {strides = array<i32>} : memref<1024x2176xf32, #tpu.memory_space<vmem>>, vector<1024x2176xf32>,
    return
  }
  func.func @transform_0(%arg0: i32) -> (i32, i32) {
    %c0_i32 = arith.constant 0 : i32
    %c0_i32_0 = arith.constant 0 : i32
    %c0_i32_1 = arith.constant 0 : i32
    return %c0_i32, %c0_i32_0 : i32, i32
  }
  func.func @transform_1(%arg0: i32) -> (i32, i32) {
    %c0_i32 = arith.constant 0 : i32
    %c0_i32_0 = arith.constant 0 : i32
    %c0_i32_1 = arith.constant 0 : i32
    return %c0_i32, %c0_i32_0 : i32, i32
  }
  func.func @transform_2(%arg0: i32) -> (i32, i32) {
    %add3A = arith.constant 14 : i32
    %add3A_0 = arith.addi %add3A, %arg0 : i32
    %c0_i32 = arith.constant 0 : i32
    %c0_i32_1 = arith.constant 0 : i32
    return %add3A_0, %c0_i32 : i32, i32
  }
  func.func @transform_3(%arg0: i32) -> (i32, i32) {
    %add3A = arith.constant 14 : i32
    %add3A_0 = arith.addi %add3A, %arg0 : i32
    %c0_i32 = arith.constant 0 : i32
    %c0_i32_1 = arith.constant 0 : i32
    return %c0_i32, %add3A_0 : i32, i32
  }
  func.func @transform_4(%arg0: i32) -> (i32, i32) {
    %c0_i32 = arith.constant 0 : i32
    %c0_i32_0 = arith.constant 0 : i32
    %c0_i32_1 = arith.constant 0 : i32
    return %c0_i32, %c0_i32_0 : i32, i32
  }
  func.func @transform_5(%arg0: i32) -> (i32, i32) {
    %add3A = arith.constant 14 : i32
    %add3A_0 = arith.addi %add3A, %arg0 : i32
    %c0_i32 = arith.constant 0 : i32
    %c0_i32_1 = arith.constant 0 : i32
    return %c0_i32, %add3A_0 : i32, i32
  }
}

</mosaic_0001>

<sc_bundles>
// kernel: kernel.5.cloned.1.call-start
scs
__scs_entry_jumppad:
0x0: {  	(pc) =	sbr.rel $0x88, $3  }
0x1: {  	(tag) =	ssettag $0x0;
	lr =	simm.s32 $0x1  }
0x2: {  	[smem:$0x3F9D] =	sst lr;
	_ =	strace $0xD0000000  }
0x3: {  	_ = 	snop  }
0x4: {  	_ = 	snop  }
0x5: {  	_ = 	snop  }
0x6: {  	_ = 	snop  }
0x7: {  	_ = 	snop  }
__scs_overlays_trampoline_lowered:
0x8: {  	[smem:$0x3FAC] =	sst s0  }
0x9: {  	[smem:$0x3FAD] =	sst s1  }
0xa: {  	[smem:$0x3FAE] =	sst s2  }
0xb: {  	[smem:$0x3FAF] =	sst s3  }
0xc: {  	[smem:$0x3FB0] =	sst s4  }
0xd: {  	[smem:$0x3FB1] =	sst s5  }
0xe: {  	[smem:$0x3FB2] =	sst s6  }
0xf: {  	[smem:$0x3FB3] =	sst s7  }
0x10: {  	[smem:$0x3FB4] =	sst s8  }
0x11: {  	[smem:$0x3FB5] =	sst s9;
	s0 =	simm.s32 @!p0 $0x0  }
0x12: {  	s1 =	sld [smem:$0x3F9B];
	s0 =	simm.s32 @p0 $0x1  }
0x13: {  	[smem:$0x3FB6] =	sst s0;
	s0 =	simm.s32 @!p1 $0x0  }
0x14: {  	s2 =	sld [smem:$0x3F9A];
	s0 =	simm.s32 @p1 $0x1  }
0x15: {  	[smem:$0x3FB7] =	sst s0;
	s0 =	simm.s32 @!p2 $0x0  }
0x16: {  	s3 =	sld [smem:$0x3FDB];
	s0 =	simm.s32 @p2 $0x1  }
0x17: {  	s4 =	simm.s32 $0x1BF5;
	[smem:$0x3FB9] =	sst s0  }
0x18: {  	s0 =	sld [smem:$0x3F9C];
	_ =	swait.ge [sflag:s4], $0x0  }
0x19: {  	s7 =	sld [smem:$0x3F9D]  }
0x1a: {  	s8 =	sadd.s32 $0xFFFFE003, lr  }
0x1b: {  	s9 =	sadd.s32 $0xFFFFFEF7, lr;
	s5 =	simm.s32 $0xFFFFFFFF;
	p2 =	slt.u32 s8, $0xFFFFF086  }
0x1c: {  	p1 =	slt.u32 s9, $0xF7A;
	s5 =	simm.s32 @!p2 $0x0  }
0x1d: {  	s5 =	simm.s32 @p1 $0x1;
	p0 =	seq.s32 s7, s2  }
0x1e: {  	s7 =	smul.u32 @!p0 $0xF7A, s2;
	p2 =	seq.s32 @!p0 s5, $0x0  }
0x1f: {  	s9 =	smul.u32 $0xF7A, s1;
	s8 =	simm.s32 @!p0 $0x1BF5;
	p2 =	por !p2, p0  }
0x20: {  	[sflag:s8] =	ssyncset.s32 @!p0 $0xFFFFF086;
	s6 =	sadd.s32 @!p0 s3, s7;
	s7 =	simm.s32 @!p0 $0x108  }
0x21: {  	s3 =	sadd.s32 s3, s9;
	s6 =	sadd.s32 @!p0 $0x88, s6;
	s7 =	simm.s32 @p2 $0x1082  }
0x22: {  	[simem:s7], [sflag:s8] =	dma.local @!p0 [hbm:s6], $0xF7A  }
0x23: {  	s9 =	sor.u32 $0xD0000000, s2;
	s6 =	simm.s32 $0x108;
	_ =	swait.ge @!p0 [sflag:s8], $0x0  }
0x24: {  	s3 =	sadd.s32 $0x88, s3;
	s6 =	simm.s32 @!p1 $0x1082;
	[sflag:s4] =	ssyncset.s32 $0xFFFFF086  }
0x25: {  	[simem:s6], [sflag:s4] =	dma.local [hbm:s3], $0xF7A  }
0x26: {  	[smem:$0x3F9D] =	sst s1;
	(tag) =	ssettag s2;
	_ =	strace s9  }
0x27: {  	s1 =	sld [smem:$0x3FAD]  }
0x28: {  	s2 =	sld [smem:$0x3FAE]  }
0x29: {  	s4 =	sld [smem:$0x3FB0]  }
0x2a: {  	p0 =	seq.s32 s5, $0x0;
	s5 =	sld [smem:$0x3FB1]  }
0x2b: {  	s6 =	sld [smem:$0x3FB2]  }
0x2c: {  	s7 =	sld [smem:$0x3FB3]  }
0x2d: {  	s3 =	simm.s32 $0x108;
	s8 =	sld [smem:$0x3FB4]  }
0x2e: {  	s3 =	simm.s32 @!p0 $0x1082;
	s9 =	sld [smem:$0x3FB5]  }
0x2f: {  	lr =	sadd.s32 s0, s3;
	s0 =	sld [smem:$0x3FAC]  }
0x30: {  	s3 =	sld [smem:$0x3FAF]  }
0x31: {  	[smem:$0x3FB8] =	sst s10  }
0x32: {  	s10 =	sld [smem:$0x3FB6];
	_ =	sdelay $0x3  }
0x33: {  	p0 =	seq.s32 s10, $0x1;
	s10 =	sld [smem:$0x3FB8];
	_ =	sdelay $0x3  }
0x34: {  	[smem:$0x3FB8] =	sst s10  }
0x35: {  	s10 =	sld [smem:$0x3FB7];
	_ =	sdelay $0x3  }
0x36: {  	p1 =	seq.s32 s10, $0x1;
	s10 =	sld [smem:$0x3FB8];
	_ =	sdelay $0x3  }
0x37: {  	[smem:$0x3FB8] =	sst s10  }
0x38: {  	s10 =	sld [smem:$0x3FB9]  }
0x39: {  	_ = 	snop;
	(pc) =	sbr.ind lr, $3  }
0x3a: {  	_ = 	snop  }
0x3b: {  	_ = 	snop  }
0x3c: {  	p2 =	seq.s32 s10, $0x1;
	s10 =	sld [smem:$0x3FB8]  }
0x3d: {  	_ =	shalt  }
0x3e: {  	_ =	shalt  }
0x3f: {  	_ =	shalt  }
0x40: {  	_ =	shalt  }
0x41: {  	_ =	shalt  }
0x42: {  	_ =	shalt  }
0x43: {  	_ =	shalt  }
0x44: {  	_ =	shalt  }
0x45: {  	_ =	shalt  }
0x46: {  	_ =	shalt  }
0x47: {  	_ =	shalt  }
0x48: {  	_ =	shalt  }
0x49: {  	_ =	shalt  }
0x4a: {  	_ =	shalt  }
0x4b: {  	_ =	shalt  }
0x4c: {  	_ =	shalt  }
0x4d: {  	_ =	shalt  }
0x4e: {  	_ =	shalt  }
0x4f: {  	_ =	shalt  }
0x50: {  	_ =	shalt  }
0x51: {  	_ =	shalt  }
0x52: {  	_ =	shalt  }
0x53: {  	_ =	shalt  }
0x54: {  	_ =	shalt  }
0x55: {  	_ =	shalt  }
0x56: {  	_ =	shalt  }
0x57: {  	_ =	shalt  }
0x58: {  	_ =	shalt  }
0x59: {  	_ =	shalt  }
0x5a: {  	_ =	shalt  }
0x5b: {  	_ =	shalt  }
0x5c: {  	_ =	shalt  }
0x5d: {  	_ =	shalt  }
0x5e: {  	_ =	shalt  }
0x5f: {  	_ =	shalt  }
0x60: {  	_ =	shalt  }
0x61: {  	_ =	shalt  }
0x62: {  	_ =	shalt  }
0x63: {  	_ =	shalt  }
0x64: {  	_ =	shalt  }
0x65: {  	_ =	shalt  }
0x66: {  	_ =	shalt  }
0x67: {  	_ =	shalt  }
0x68: {  	_ =	shalt  }
0x69: {  	_ =	shalt  }
0x6a: {  	_ =	shalt  }
0x6b: {  	_ =	shalt  }
0x6c: {  	_ =	shalt  }
0x6d: {  	_ =	shalt  }
0x6e: {  	_ =	shalt  }
0x6f: {  	_ =	shalt  }
0x70: {  	_ =	shalt  }
0x71: {  	_ =	shalt  }
0x72: {  	_ =	shalt  }
0x73: {  	_ =	shalt  }
0x74: {  	_ =	shalt  }
0x75: {  	_ =	shalt  }
0x76: {  	_ =	shalt  }
0x77: {  	_ =	shalt  }
0x78: {  	_ =	shalt  }
0x79: {  	_ =	shalt  }
0x7a: {  	_ =	shalt  }
0x7b: {  	_ =	shalt  }
0x7c: {  	_ =	shalt  }
0x7d: {  	_ =	shalt  }
0x7e: {  	_ =	shalt  }
0x7f: {  	_ =	shalt  }
0x80: {  	_ =	shalt  }
0x81: {  	_ =	shalt  }
0x82: {  	_ =	shalt  }
0x83: {  	_ =	shalt  }
0x84: {  	_ =	shalt  }
0x85: {  	_ =	shalt  }
0x86: {  	_ =	shalt  }
0x87: {  	_ =	shalt  }
.Lfunc_end0:
.L_simem_size_0:
called_computation_lowered:
.L_overlay_start_0:
0x88: {  	s2 =	sld [smem:$0x3FD9]  }
0x89: {  	s3 =	sld [smem:$0x3FFE];
	_ =	sdelay $0x1  }
0x8a: {  	s1 =	srdreg.scid  }
0x8b: {  	s0 =	sand.u32 $0x1, s1  }
0x8c: {  	s17 =	sshll.u32 s0, $0xA;
	s2 =	sadd.s32 s3, s2  }
0x8d: {  	s2 =	sadd.s32 s2, s17  }
0x8e: {  	[smem:$0x3FC4] =	sst s2  }
0x8f: {  	_ = 	snop  }
0x90: {  	s2 =	sld [smem:$0x3FD0];
	(tm) =	ssettm $0x1  }
0x91: {  	s18 =	sld [smem:$0x3FFB];
	_ =	sdelay $0x3  }
0x92: {  	_ =	strace s18  }
0x93: {  	s3 =	sld [smem:$0x3FFC];
	_ =	sdelay $0x3  }
0x94: {  	_ =	strace s3  }
0x95: {  	s3 =	sld [smem:$0x3FFD];
	_ =	sdelay $0x3  }
0x96: {  	_ =	strace s3  }
0x97: {  	_ =	strace $0x8FFFFFFF  }
0x98: {  	s19 =	sld [smem:$0x3FDB];
	_ =	sdelay $0x1  }
0x99: {  	s4 =	simm.s32 $_scs_section_size  }
0x9a: {  	s5 =	simm.s32 $_size__tile_overlayer_lowered;
	s6 =	simm.s32 $_tile_overlayer_lowered  }
0x9b: {  	s22 =	simm.s32 $0x1BFF;
	s21 =	sshll.u32 s6, $0x1;
	s3 =	sadd.s32 s4, s19  }
0x9c: {  	s7 =	simm.s32 $0x0;
	s20 =	sshll.u32 s5, $0x1;
	s5 =	sadd.s32 s21, s3  }
0x9d: {  	[timem:s7], [sflag:s22] =	dma.local [hbm:s5], s20  }
0x9e: {  	_ =	swait.ge [sflag:s22], s20  }
0x9f: {  	s4 =	ssub.s32 $0x0, s20;
	[sflag:s22] =	ssyncset.done $0x0  }
0xa0: {  	[sflag:s22] =	ssyncadd.s32 s4;
	_ =	sdelay $0x1  }
0xa1: {  	s23 =	simm.s32 $0x1B8B  }
0xa2: {  	_ =	swait.ge [sflag:s23], $0x1  }
0xa3: {  	[sflag:s23] =	ssyncset.done $0x0  }
0xa4: {  	s25 =	simm.s32 $0x1B8E;
	s24 =	sld [smem:$0x3FFE];
	[sflag:s23] =	ssyncadd.s32 $0xFFFFFFFF  }
0xa5: {  	s26 =	simm.s32 $execute0_lowered;
	[smem:$0x3FD2] =	sst s25  }
0xa6: {  	s5 =	sshll.u32 s26, $0x1;
	_ =	strace $0x80000046;
	[dreg:$0x1] =	wrdreg $0xFFFFFFFF  }
0xa7: {  	s28 =	simm.s32 $_size_execute0_lowered;
	s3 =	sadd.s32 s3, s5;
	[dreg:$0x0] =	wrdreg $0x0  }
0xa8: {  	s5 =	sshll.u32 s28, $0x1;
	[dreg:$0x2] =	wrdreg s3  }
0xa9: {  	[dreg:$0x3] =	wrdreg s5  }
0xaa: {  	[dreg:$0x4] =	wrdreg $0xC0  }
0xab: {  	_ =	task [dreg:s7], $0x5FFFF  }
0xac: {  	[dreg:$0x1] =	wrdreg $0xFFFFFFFF  }
0xad: {  	[dreg:$0x0] =	wrdreg $0x60  }
0xae: {  	[dreg:$0x2] =	wrdreg s24  }
0xaf: {  	[dreg:$0x3] =	wrdreg s2  }
0xb0: {  	[dreg:$0x4] =	wrdreg $0x9  }
0xb1: {  	_ =	task.clear_ibuf [dreg:s7], $0x5FFFF;
	_ =	strace $0x90000046  }
0xb2: {  	s29 =	simm.s32 $0x9;
	_ =	strace $0x80000048  }
0xb3: {  	_ =	swait.ge [sflag:s29], $0x1  }
0xb4: {  	[sflag:s29] =	ssyncadd.s32 $0xFFFFFFFF  }
0xb5: {  	_ =	strace $0x90000048  }
0xb6: {  	_ =	sfence  }
0xb7: {  	s30 =	sld [smem:$0x0];
	_ =	sdelay $0x2  }
0xb8: {  	s31 =	sshll.u32 s1, $0xD;
	s1 =	sshrl.u32 s1, $0x2  }
0xb9: {  	s3 =	sand.u32 $0x4000, s31;
	s1 =	sadd.s32 s1, s30  }
0xba: {  	s0 =	sor.u32 s3, s0;
	s1 =	sshll.u32 s1, $0x11  }
0xbb: {  	s0 =	sor.u32 s1, s0  }
0xbc: {  	s0 =	sadd.s32 $0x8F2B, s0  }
0xbd: {  	[sflag:s0] =	ssyncadd.remote.s32 $0x1  }
0xbe: {  	_ =	sfence.sel $0xFFFF  }
0xbf: {  	[dreg:$0x0] =	wrdreg $0xFFFFFFFF;
	(pc) =	sbr.abs _section_cstart, $3  }
0xc0: {  	[dreg:$0x1] =	wrdreg $0xFFFFFFFF  }
0xc1: {  	_ =	task.clear_ibuf [dreg:s7], $0x2FFFF;
	_ =	strace $0x9FFFFFFF  }
0xc2: {  	(tm) =	ssettm $0x7FFFFFFF  }
0xc3: {  	_ =	shalt  }
tec
execute0_lowered:
.L_overlay_start_1:
0x0: {  	(tag) =	ssettag $0x1  }
0x1: {  	s0 =	rddreg [dreg:$0x0]  }
0x2: {  	s1 =	rddreg [dreg:$0x1];
	s2 =	simm.s32 $0x0;
	s3 =	srdreg.scid  }
0x3: {  	s7 =	stileid.u32;
	s9 =	simm.s32 $0x1200;
	s10 =	simm.s32 $0x1A00  }
0x4: {  	s11 =	simm.s32 $0x2200;
	s12 =	simm.s32 $0x2A00;
	s13 =	simm.s32 $0x3200  }
0x5: {  	s14 =	simm.s32 $0x3A00;
	s15 =	simm.s32 $0x4200;
	s16 =	simm.s32 $0x4A00  }
0x6: {  	s17 =	simm.s32 $0x5200;
	s18 =	simm.s32 $0x5A00;
	s19 =	simm.s32 $0x6200  }
0x7: {  	s20 =	simm.s32 $0x6A00;
	s21 =	simm.s32 $0x7200;
	s22 =	simm.s32 $0x7A00  }
0x8: {  	s23 =	simm.s32 $0x8200;
	[smem:$0x7FF] =	sst s2;
	s4 =	sand.u32 $0x1, s3  }
0x9: {  	s5 =	smul.u32 $0x61C000, s7;
	s3 =	sadd.s32 $0x4800, s0;
	s7 =	sshll.u32 s7, $0x7  }
0xa: {  	s6 =	smul.u32 $0x30E000, s4;
	s8 =	sshll.u32 s4, $0x6;
	s4 =	ssub.s32 $0x2, s4  }
0xb: {  	_ =	strace $0x80000047;
	s7 =	sor.u32 s8, s7;
	s24 =	sshrl.u32 s4, $0x1  }
0xc: {  	s8 =	simm.s32 $0xA00;
	s5 =	sadd.s32 s6, s5;
	s0 =	sadd.s32 s7, s0  }
0xd: {  	s4 =	ssub.s32 s4, s24;
	s7 =	simm.s32 $0x200;
	s6 =	sshrl.u32 s5, $0x3  }
0xe: {  	s0 =	sadd.s32 $0xE00, s0;
	s26 =	sadd.s32 $0xC3800, s5;
	s29 =	sadd.s32 $0x187000, s5  }
0xf: {  	s5 =	sadd.s32 $0x24A800, s5;
	s4 =	smax.u32 s4, $0x1;
	[dreg:$0x7] =	wrdreg s0  }
0x10: {  	s25 =	sadd.s32 s6, s1;
	s28 =	sshrl.u32 s26, $0x3;
	[dreg:$0x8] =	wrdreg s4  }
0x11: {  	s6 =	sshrl.u32 s29, $0x3;
	[dreg:$0x3] =	wrdreg s25;
	s0 =	sadd.s32 s28, s1  }
0x12: {  	v0 =	vlaneseq.u32;
	s5 =	sshrl.u32 s5, $0x3;
	s30 =	sadd.s32 s6, s1;
	[dreg:$0x4] =	wrdreg s0  }
0x13: {  	v1 =	vshrl.u32 v0, $0x3;
	s24 =	simm.s32 $0x1;
	s31 =	sadd.s32 s5, s1;
	[dreg:$0x5] =	wrdreg s30  }
0x14: {  	vm0 =	vmmov $0xffff;
	v0 =	vand.u32 $0x7, v0;
	v1 =	vmul.u32 $0x8, v1;
	s6 =	simm.s32 $0x2;
	s1 =	simm.s32 $0x0;
	[dreg:$0x6] =	wrdreg s31  }
.LBB2_1:
0x15: {  	[dreg:$0x9] =	wrdreg s1  }
0x16: {  	s0 =	rddreg [dreg:$0x7]  }
0x17: {  	[tilespmem:s2], [sflag:$0x2] =	stream.linear.gather [hbm4b:s0+s2], $0x200, $0x38;
	[tilespmem:$0x8A00] =	vst v63  }
0x18: {  	_ =	swait.ge [sflag:s6], $0x200  }
0x19: {  	[sflag:s6] =	ssyncset.done $0x0  }
0x1a: {  	[sflag:s6] =	ssyncadd.s32 $0xFFFFFE00  }
0x1b: {  	v2 =	vld.msk [tilespmem:$0x0], $0xff;
	_ =	sdelay $0x4  }
0x1c: {  	v3 =	vshrl.u32 v2, $0x3  }
0x1d: {  	v3 =	vmul.u32 $0x770, v3  }
0x1e: {  	v2 =	vand.u32 $0x7, v2  }
0x1f: {  	v2 =	vor.u32 v2, v3  }
0x20: {  	v2 =	vperm.xlane v2, v0;
	_ =	sdelay $0x1  }
0x21: {  	v2 =	vadd.s32 v1, v2;
	_ =	sdelay $0x3  }
0x22: {  	s0 =	sadd.s32 $0x0, s3  }
0x23: {  	[tilespmem:s7], [sflag:$0x1] =	stream.indirect_vreg.gather [hbm4b:s0+s2], $0x80, v2, vm0, $0xb8;
	[tilespmem:$0x8A00] =	vst v63  }
0x24: {  	s4 =	sadd.s32 $0x100, s0  }
0x25: {  	[tilespmem:s8], [sflag:$0x1] =	stream.indirect_vreg.gather [hbm4b:s4+s2], $0x80, v2, vm0, $0xb8;
	[tilespmem:$0x8A00] =	vst v63  }
0x26: {  	s5 =	sadd.s32 $0x200, s0  }
0x27: {  	[tilespmem:s9], [sflag:$0x1] =	stream.indirect_vreg.gather [hbm4b:s5+s2], $0x80, v2, vm0, $0xb8;
	[tilespmem:$0x8A00] =	vst v63  }
0x28: {  	s25 =	sadd.s32 $0x300, s0  }
0x29: {  	[tilespmem:s10], [sflag:$0x1] =	stream.indirect_vreg.gather [hbm4b:s25+s2], $0x80, v2, vm0, $0xb8;
	[tilespmem:$0x8A00] =	vst v63  }
0x2a: {  	s26 =	sadd.s32 $0x400, s0  }
0x2b: {  	[tilespmem:s11], [sflag:$0x1] =	stream.indirect_vreg.gather [hbm4b:s26+s2], $0x80, v2, vm0, $0xb8;
	[tilespmem:$0x8A00] =	vst v63  }
0x2c: {  	s28 =	sadd.s32 $0x500, s0  }
0x2d: {  	[tilespmem:s12], [sflag:$0x1] =	stream.indirect_vreg.gather [hbm4b:s28+s2], $0x80, v2, vm0, $0xb8;
	[tilespmem:$0x8A00] =	vst v63  }
0x2e: {  	s29 =	sadd.s32 $0x600, s0  }
0x2f: {  	[tilespmem:s13], [sflag:$0x1] =	stream.indirect_vreg.gather [hbm4b:s29+s2], $0x80, v2, vm0, $0xb8;
	[tilespmem:$0x8A00] =	vst v63  }
0x30: {  	s30 =	sadd.s32 $0x700, s0  }
0x31: {  	[tilespmem:s14], [sflag:$0x1] =	stream.indirect_vreg.gather [hbm4b:s30+s2], $0x80, v2, vm0, $0xb8;
	[tilespmem:$0x8A00] =	vst v63  }
0x32: {  	s31 =	sadd.s32 $0x800, s0  }
0x33: {  	[tilespmem:s15], [sflag:$0x1] =	stream.indirect_vreg.gather [hbm4b:s31+s2], $0x80, v2, vm0, $0xb8;
	[tilespmem:$0x8A00] =	vst v63  }
0x34: {  	s4 =	sadd.s32 $0x900, s0  }
0x35: {  	[tilespmem:s16], [sflag:$0x1] =	stream.indirect_vreg.gather [hbm4b:s4+s2], $0x80, v2, vm0, $0xb8;
	[tilespmem:$0x8A00] =	vst v63  }
0x36: {  	s5 =	sadd.s32 $0xA00, s0  }
0x37: {  	[tilespmem:s17], [sflag:$0x1] =	stream.indirect_vreg.gather [hbm4b:s5+s2], $0x80, v2, vm0, $0xb8;
	[tilespmem:$0x8A00] =	vst v63  }
0x38: {  	s25 =	sadd.s32 $0xB00, s0  }
0x39: {  	[tilespmem:s18], [sflag:$0x1] =	stream.indirect_vreg.gather [hbm4b:s25+s2], $0x80, v2, vm0, $0xb8;
	[tilespmem:$0x8A00] =	vst v63  }
0x3a: {  	s26 =	sadd.s32 $0xC00, s0  }
0x3b: {  	[tilespmem:s19], [sflag:$0x1] =	stream.indirect_vreg.gather [hbm4b:s26+s2], $0x80, v2, vm0, $0xb8;
	[tilespmem:$0x8A00] =	vst v63  }
0x3c: {  	s28 =	sadd.s32 $0xD00, s0  }
0x3d: {  	[tilespmem:s20], [sflag:$0x1] =	stream.indirect_vreg.gather [hbm4b:s28+s2], $0x80, v2, vm0, $0xb8;
	[tilespmem:$0x8A00] =	vst v63  }
0x3e: {  	s29 =	sadd.s32 $0xE00, s0  }
0x3f: {  	[tilespmem:s21], [sflag:$0x1] =	stream.indirect_vreg.gather [hbm4b:s29+s2], $0x80, v2, vm0, $0xb8;
	[tilespmem:$0x8A00] =	vst v63  }
0x40: {  	s30 =	sadd.s32 $0xF00, s0  }
0x41: {  	[tilespmem:s22], [sflag:$0x1] =	stream.indirect_vreg.gather [hbm4b:s30+s2], $0x80, v2, vm0, $0xb8;
	[tilespmem:$0x8A00] =	vst v63  }
0x42: {  	s0 =	sadd.s32 $0x1000, s0  }
0x43: {  	[tilespmem:s23], [sflag:$0x1] =	stream.indirect_vreg.gather [hbm4b:s0+s2], $0x80, v2, vm0, $0xb8;
	[tilespmem:$0x8A00] =	vst v63  }
0x44: {  	_ =	swait.ge [sflag:s24], $0x8800  }
0x45: {  	s31 =	rddreg [dreg:$0x3];
	[sflag:s24] =	ssyncset.done $0x0  }
0x46: {  	[sflag:s24] =	ssyncadd.s32 $0xFFFF7800;
	s0 =	sadd.s32 $0x0, s31  }
0x47: {  	[hbm4b:s0+s2] =	stream.linear.scatter [tilespmem:s7], [sflag:$0x2], $0x8800, $0x38;
	[tilespmem:$0x8A00] =	vst v63  }
0x48: {  	_ =	swait.ge [sflag:s6], $0x8800  }
0x49: {  	s0 =	simm.s32 $0x1100;
	[sflag:s6] =	ssyncset.done $0x0  }
.LBB2_2:
0x4a: {  	[sflag:s6] =	ssyncadd.s32 $0xFFFF7800  }
0x4b: {  	v2 =	vld.msk [tilespmem:$0x0], $0xff;
	_ =	sdelay $0x4  }
0x4c: {  	v3 =	vshrl.u32 v2, $0x3  }
0x4d: {  	v3 =	vmul.u32 $0x770, v3  }
0x4e: {  	v2 =	vand.u32 $0x7, v2  }
0x4f: {  	v2 =	vor.u32 v2, v3  }
0x50: {  	v2 =	vperm.xlane v2, v0;
	_ =	sdelay $0x1  }
0x51: {  	v2 =	vadd.s32 v1, v2;
	_ =	sdelay $0x2  }
0x52: {  	s1 =	smov.u32 s0  }
0x53: {  	s26 =	simm.s32 $0x0;
	s4 =	sadd.s32 s1, s3  }
0x54: {  	[tilespmem:s7], [sflag:$0x1] =	stream.indirect_vreg.gather [hbm4b:s4+s26], $0x80, v2, vm0, $0xb8;
	[tilespmem:$0x8A00] =	vst v63  }
0x55: {  	s5 =	sadd.s32 $0x100, s4  }
0x56: {  	[tilespmem:s8], [sflag:$0x1] =	stream.indirect_vreg.gather [hbm4b:s5+s26], $0x80, v2, vm0, $0xb8;
	[tilespmem:$0x8A00] =	vst v63  }
0x57: {  	s25 =	sadd.s32 $0x200, s4  }
0x58: {  	[tilespmem:s9], [sflag:$0x1] =	stream.indirect_vreg.gather [hbm4b:s25+s26], $0x80, v2, vm0, $0xb8;
	[tilespmem:$0x8A00] =	vst v63  }
0x59: {  	s28 =	sadd.s32 $0x300, s4  }
0x5a: {  	[tilespmem:s10], [sflag:$0x1] =	stream.indirect_vreg.gather [hbm4b:s28+s26], $0x80, v2, vm0, $0xb8;
	[tilespmem:$0x8A00] =	vst v63  }
0x5b: {  	s29 =	sadd.s32 $0x400, s4  }
0x5c: {  	[tilespmem:s11], [sflag:$0x1] =	stream.indirect_vreg.gather [hbm4b:s29+s26], $0x80, v2, vm0, $0xb8;
	[tilespmem:$0x8A00] =	vst v63  }
0x5d: {  	s30 =	sadd.s32 $0x500, s4  }
0x5e: {  	[tilespmem:s12], [sflag:$0x1] =	stream.indirect_vreg.gather [hbm4b:s30+s26], $0x80, v2, vm0, $0xb8;
	[tilespmem:$0x8A00] =	vst v63  }
0x5f: {  	s31 =	sadd.s32 $0x600, s4  }
0x60: {  	[tilespmem:s13], [sflag:$0x1] =	stream.indirect_vreg.gather [hbm4b:s31+s26], $0x80, v2, vm0, $0xb8;
	[tilespmem:$0x8A00] =	vst v63  }
0x61: {  	s25 =	sadd.s32 $0x700, s4  }
0x62: {  	[tilespmem:s14], [sflag:$0x1] =	stream.indirect_vreg.gather [hbm4b:s25+s26], $0x80, v2, vm0, $0xb8;
	[tilespmem:$0x8A00] =	vst v63  }
0x63: {  	s28 =	sadd.s32 $0x800, s4  }
0x64: {  	[tilespmem:s15], [sflag:$0x1] =	stream.indirect_vreg.gather [hbm4b:s28+s26], $0x80, v2, vm0, $0xb8;
	[tilespmem:$0x8A00] =	vst v63  }
0x65: {  	s29 =	sadd.s32 $0x900, s4  }
0x66: {  	[tilespmem:s16], [sflag:$0x1] =	stream.indirect_vreg.gather [hbm4b:s29+s26], $0x80, v2, vm0, $0xb8;
	[tilespmem:$0x8A00] =	vst v63  }
0x67: {  	s30 =	sadd.s32 $0xA00, s4  }
0x68: {  	[tilespmem:s17], [sflag:$0x1] =	stream.indirect_vreg.gather [hbm4b:s30+s26], $0x80, v2, vm0, $0xb8;
	[tilespmem:$0x8A00] =	vst v63  }
0x69: {  	s31 =	sadd.s32 $0xB00, s4  }
0x6a: {  	[tilespmem:s18], [sflag:$0x1] =	stream.indirect_vreg.gather [hbm4b:s31+s26], $0x80, v2, vm0, $0xb8;
	[tilespmem:$0x8A00] =	vst v63  }
0x6b: {  	s25 =	sadd.s32 $0xC00, s4  }
0x6c: {  	[tilespmem:s19], [sflag:$0x1] =	stream.indirect_vreg.gather [hbm4b:s25+s26], $0x80, v2, vm0, $0xb8;
	[tilespmem:$0x8A00] =	vst v63  }
0x6d: {  	s28 =	sadd.s32 $0xD00, s4  }
0x6e: {  	[tilespmem:s20], [sflag:$0x1] =	stream.indirect_vreg.gather [hbm4b:s28+s26], $0x80, v2, vm0, $0xb8;
	[tilespmem:$0x8A00] =	vst v63  }
0x6f: {  	s29 =	sadd.s32 $0xE00, s4  }
0x70: {  	[tilespmem:s21], [sflag:$0x1] =	stream.indirect_vreg.gather [hbm4b:s29+s26], $0x80, v2, vm0, $0xb8;
	[tilespmem:$0x8A00] =	vst v63  }
0x71: {  	s30 =	sadd.s32 $0xF00, s4  }
0x72: {  	[tilespmem:s22], [sflag:$0x1] =	stream.indirect_vreg.gather [hbm4b:s30+s26], $0x80, v2, vm0, $0xb8;
	[tilespmem:$0x8A00] =	vst v63  }
0x73: {  	s4 =	sadd.s32 $0x1000, s4  }
0x74: {  	[tilespmem:s23], [sflag:$0x1] =	stream.indirect_vreg.gather [hbm4b:s4+s26], $0x80, v2, vm0, $0xb8;
	[tilespmem:$0x8A00] =	vst v63  }
0x75: {  	p0 =	sne.s32 s0, $0x6600;
	_ =	swait.ge [sflag:s24], $0x8800  }
.Ltmp0:
0x76: {  	s31 =	rddreg [dreg:$0x3];
	[sflag:s24] =	ssyncset.done $0x0;
	(pc) =	sbr.rel @p0 .LBB2_2-.Ltmp0, $4  }
0x77: {  	[sflag:s24] =	ssyncadd.s32 $0xFFFF7800;
	s1 =	sadd.s32 s1, s31  }
0x78: {  	[hbm4b:s1+s26] =	stream.linear.scatter [tilespmem:s7], [sflag:$0x2], $0x8800, $0x38;
	[tilespmem:$0x8A00] =	vst v63  }
0x79: {  	_ =	swait.ge [sflag:s6], $0x8800  }
0x7a: {  	s0 =	sadd.s32 $0x1100, s0;
	[sflag:s6] =	ssyncset.done $0x0  }
0x7b: {  	[sflag:s6] =	ssyncadd.s32 $0xFFFF7800  }
0x7c: {  	v2 =	vld.msk [tilespmem:$0x80], $0xff;
	_ =	sdelay $0x4  }
0x7d: {  	v3 =	vshrl.u32 v2, $0x3  }
0x7e: {  	v3 =	vmul.u32 $0x770, v3  }
0x7f: {  	v2 =	vand.u32 $0x7, v2  }
0x80: {  	v2 =	vor.u32 v2, v3  }
0x81: {  	v2 =	vperm.xlane v2, v0;
	_ =	sdelay $0x1  }
0x82: {  	v2 =	vadd.s32 v1, v2;
	_ =	sdelay $0x3  }
0x83: {  	s28 =	sadd.s32 $0x0, s3  }
0x84: {  	[tilespmem:s7], [sflag:$0x1] =	stream.indirect_vreg.gather [hbm4b:s28+s26], $0x80, v2, vm0, $0xb8;
	[tilespmem:$0x8A00] =	vst v63  }
0x85: {  	s0 =	sadd.s32 $0x100, s28  }
0x86: {  	[tilespmem:s8], [sflag:$0x1] =	stream.indirect_vreg.gather [hbm4b:s0+s26], $0x80, v2, vm0, $0xb8;
	[tilespmem:$0x8A00] =	vst v63  }
0x87: {  	s4 =	sadd.s32 $0x200, s28  }
0x88: {  	[tilespmem:s9], [sflag:$0x1] =	stream.indirect_vreg.gather [hbm4b:s4+s26], $0x80, v2, vm0, $0xb8;
	[tilespmem:$0x8A00] =	vst v63  }
0x89: {  	s5 =	sadd.s32 $0x300, s28  }
0x8a: {  	[tilespmem:s10], [sflag:$0x1] =	stream.indirect_vreg.gather [hbm4b:s5+s26], $0x80, v2, vm0, $0xb8;
	[tilespmem:$0x8A00] =	vst v63  }
0x8b: {  	s25 =	sadd.s32 $0x400, s28  }
0x8c: {  	[tilespmem:s11], [sflag:$0x1] =	stream.indirect_vreg.gather [hbm4b:s25+s26], $0x80, v2, vm0, $0xb8;
	[tilespmem:$0x8A00] =	vst v63  }
0x8d: {  	s30 =	sadd.s32 $0x500, s28;
	[dreg:$0xa] =	wrdreg s0  }
0x8e: {  	[tilespmem:s12], [sflag:$0x1] =	stream.indirect_vreg.gather [hbm4b:s30+s26], $0x80, v2, vm0, $0xb8;
	[tilespmem:$0x8A00] =	vst v63  }
0x8f: {  	s31 =	sadd.s32 $0x600, s28;
	[dreg:$0xb] =	wrdreg s4  }
0x90: {  	[tilespmem:s13], [sflag:$0x1] =	stream.indirect_vreg.gather [hbm4b:s31+s26], $0x80, v2, vm0, $0xb8;
	[tilespmem:$0x8A00] =	vst v63  }
0x91: {  	s1 =	sadd.s32 $0x700, s28;
	[dreg:$0xc] =	wrdreg s5  }
0x92: {  	[tilespmem:s14], [sflag:$0x1] =	stream.indirect_vreg.gather [hbm4b:s1+s26], $0x80, v2, vm0, $0xb8;
	[tilespmem:$0x8A00] =	vst v63  }
0x93: {  	[dreg:$0xd] =	wrdreg s25;
	s4 =	sadd.s32 $0x800, s28  }
0x94: {  	[tilespmem:s15], [sflag:$0x1] =	stream.indirect_vreg.gather [hbm4b:s4+s26], $0x80, v2, vm0, $0xb8;
	[tilespmem:$0x8A00] =	vst v63  }
0x95: {  	[dreg:$0xe] =	wrdreg s30;
	s5 =	sadd.s32 $0x900, s28  }
0x96: {  	[tilespmem:s16], [sflag:$0x1] =	stream.indirect_vreg.gather [hbm4b:s5+s26], $0x80, v2, vm0, $0xb8;
	[tilespmem:$0x8A00] =	vst v63  }
0x97: {  	[dreg:$0xf] =	wrdreg s31;
	s25 =	sadd.s32 $0xA00, s28  }
0x98: {  	[tilespmem:s17], [sflag:$0x1] =	stream.indirect_vreg.gather [hbm4b:s25+s26], $0x80, v2, vm0, $0xb8;
	[tilespmem:$0x8A00] =	vst v63  }
0x99: {  	[dreg:$0x10] =	wrdreg s1;
	s30 =	sadd.s32 $0xB00, s28  }
0x9a: {  	[tilespmem:s18], [sflag:$0x1] =	stream.indirect_vreg.gather [hbm4b:s30+s26], $0x80, v2, vm0, $0xb8;
	[tilespmem:$0x8A00] =	vst v63  }
0x9b: {  	[dreg:$0x11] =	wrdreg s4;
	s31 =	sadd.s32 $0xC00, s28  }
0x9c: {  	[tilespmem:s19], [sflag:$0x1] =	stream.indirect_vreg.gather [hbm4b:s31+s26], $0x80, v2, vm0, $0xb8;
	[tilespmem:$0x8A00] =	vst v63  }
0x9d: {  	[dreg:$0x12] =	wrdreg s5;
	s1 =	sadd.s32 $0xD00, s28  }
0x9e: {  	[tilespmem:s20], [sflag:$0x1] =	stream.indirect_vreg.gather [hbm4b:s1+s26], $0x80, v2, vm0, $0xb8;
	[tilespmem:$0x8A00] =	vst v63  }
0x9f: {  	[dreg:$0x13] =	wrdreg s25;
	s4 =	sadd.s32 $0xE00, s28  }
0xa0: {  	[tilespmem:s21], [sflag:$0x1] =	stream.indirect_vreg.gather [hbm4b:s4+s26], $0x80, v2, vm0, $0xb8;
	[tilespmem:$0x8A00] =	vst v63  }
0xa1: {  	[dreg:$0x14] =	wrdreg s30;
	s5 =	sadd.s32 $0xF00, s28  }
0xa2: {  	[tilespmem:s22], [sflag:$0x1] =	stream.indirect_vreg.gather [hbm4b:s5+s26], $0x80, v2, vm0, $0xb8;
	[tilespmem:$0x8A00] =	vst v63  }
0xa3: {  	[dreg:$0x15] =	wrdreg s31;
	s25 =	sadd.s32 $0x1000, s28  }
0xa4: {  	[tilespmem:s23], [sflag:$0x1] =	stream.indirect_vreg.gather [hbm4b:s25+s26], $0x80, v2, vm0, $0xb8;
	[tilespmem:$0x8A00] =	vst v63  }
0xa5: {  	_ =	swait.ge [sflag:s24], $0x8800  }
0xa6: {  	s29 =	rddreg [dreg:$0x4];
	[sflag:s24] =	ssyncset.done $0x0  }
0xa7: {  	[sflag:s24] =	ssyncadd.s32 $0xFFFF7800;
	s29 =	sadd.s32 $0x0, s29  }
0xa8: {  	[hbm4b:s29+s26] =	stream.linear.scatter [tilespmem:s7], [sflag:$0x2], $0x8800, $0x38;
	[tilespmem:$0x8A00] =	vst v63  }
0xa9: {  	_ =	swait.ge [sflag:s6], $0x8800  }
0xaa: {  	s29 =	simm.s32 $0x1100;
	[sflag:s6] =	ssyncset.done $0x0  }
.LBB2_4:
0xab: {  	[sflag:s6] =	ssyncadd.s32 $0xFFFF7800  }
0xac: {  	v2 =	vld.msk [tilespmem:$0x80], $0xff;
	_ =	sdelay $0x4  }
0xad: {  	v3 =	vshrl.u32 v2, $0x3  }
0xae: {  	v3 =	vmul.u32 $0x770, v3  }
0xaf: {  	v2 =	vand.u32 $0x7, v2  }
0xb0: {  	v2 =	vor.u32 v2, v3  }
0xb1: {  	v2 =	vperm.xlane v2, v0;
	_ =	sdelay $0x1  }
0xb2: {  	v2 =	vadd.s32 v1, v2;
	_ =	sdelay $0x2  }
0xb3: {  	s30 =	smov.u32 s29  }
0xb4: {  	s31 =	sadd.s32 s30, s3  }
0xb5: {  	[tilespmem:s7], [sflag:$0x1] =	stream.indirect_vreg.gather [hbm4b:s31+s26], $0x80, v2, vm0, $0xb8;
	[tilespmem:$0x8A00] =	vst v63  }
0xb6: {  	s0 =	sadd.s32 $0x100, s31  }
0xb7: {  	[tilespmem:s8], [sflag:$0x1] =	stream.indirect_vreg.gather [hbm4b:s0+s26], $0x80, v2, vm0, $0xb8;
	[tilespmem:$0x8A00] =	vst v63  }
0xb8: {  	s0 =	sadd.s32 $0x200, s31  }
0xb9: {  	[tilespmem:s9], [sflag:$0x1] =	stream.indirect_vreg.gather [hbm4b:s0+s26], $0x80, v2, vm0, $0xb8;
	[tilespmem:$0x8A00] =	vst v63  }
0xba: {  	s0 =	sadd.s32 $0x300, s31  }
0xbb: {  	[tilespmem:s10], [sflag:$0x1] =	stream.indirect_vreg.gather [hbm4b:s0+s26], $0x80, v2, vm0, $0xb8;
	[tilespmem:$0x8A00] =	vst v63  }
0xbc: {  	s0 =	sadd.s32 $0x400, s31  }
0xbd: {  	[tilespmem:s11], [sflag:$0x1] =	stream.indirect_vreg.gather [hbm4b:s0+s26], $0x80, v2, vm0, $0xb8;
	[tilespmem:$0x8A00] =	vst v63  }
0xbe: {  	s0 =	sadd.s32 $0x500, s31  }
0xbf: {  	[tilespmem:s12], [sflag:$0x1] =	stream.indirect_vreg.gather [hbm4b:s0+s26], $0x80, v2, vm0, $0xb8;
	[tilespmem:$0x8A00] =	vst v63  }
0xc0: {  	s0 =	sadd.s32 $0x600, s31  }
0xc1: {  	[tilespmem:s13], [sflag:$0x1] =	stream.indirect_vreg.gather [hbm4b:s0+s26], $0x80, v2, vm0, $0xb8;
	[tilespmem:$0x8A00] =	vst v63  }
0xc2: {  	s0 =	sadd.s32 $0x700, s31  }
0xc3: {  	[tilespmem:s14], [sflag:$0x1] =	stream.indirect_vreg.gather [hbm4b:s0+s26], $0x80, v2, vm0, $0xb8;
	[tilespmem:$0x8A00] =	vst v63  }
0xc4: {  	s0 =	sadd.s32 $0x800, s31  }
0xc5: {  	[tilespmem:s15], [sflag:$0x1] =	stream.indirect_vreg.gather [hbm4b:s0+s26], $0x80, v2, vm0, $0xb8;
	[tilespmem:$0x8A00] =	vst v63  }
0xc6: {  	s0 =	sadd.s32 $0x900, s31  }
0xc7: {  	[tilespmem:s16], [sflag:$0x1] =	stream.indirect_vreg.gather [hbm4b:s0+s26], $0x80, v2, vm0, $0xb8;
	[tilespmem:$0x8A00] =	vst v63  }
0xc8: {  	s0 =	sadd.s32 $0xA00, s31  }
0xc9: {  	[tilespmem:s17], [sflag:$0x1] =	stream.indirect_vreg.gather [hbm4b:s0+s26], $0x80, v2, vm0, $0xb8;
	[tilespmem:$0x8A00] =	vst v63  }
0xca: {  	s0 =	sadd.s32 $0xB00, s31  }
0xcb: {  	[tilespmem:s18], [sflag:$0x1] =	stream.indirect_vreg.gather [hbm4b:s0+s26], $0x80, v2, vm0, $0xb8;
	[tilespmem:$0x8A00] =	vst v63  }
0xcc: {  	s0 =	sadd.s32 $0xC00, s31  }
0xcd: {  	[tilespmem:s19], [sflag:$0x1] =	stream.indirect_vreg.gather [hbm4b:s0+s26], $0x80, v2, vm0, $0xb8;
	[tilespmem:$0x8A00] =	vst v63  }
0xce: {  	s0 =	sadd.s32 $0xD00, s31  }
0xcf: {  	[tilespmem:s20], [sflag:$0x1] =	stream.indirect_vreg.gather [hbm4b:s0+s26], $0x80, v2, vm0, $0xb8;
	[tilespmem:$0x8A00] =	vst v63  }
0xd0: {  	s0 =	sadd.s32 $0xE00, s31  }
0xd1: {  	[tilespmem:s21], [sflag:$0x1] =	stream.indirect_vreg.gather [hbm4b:s0+s26], $0x80, v2, vm0, $0xb8;
	[tilespmem:$0x8A00] =	vst v63  }
0xd2: {  	s0 =	sadd.s32 $0xF00, s31  }
0xd3: {  	[tilespmem:s22], [sflag:$0x1] =	stream.indirect_vreg.gather [hbm4b:s0+s26], $0x80, v2, vm0, $0xb8;
	[tilespmem:$0x8A00] =	vst v63  }
0xd4: {  	s31 =	sadd.s32 $0x1000, s31  }
0xd5: {  	[tilespmem:s23], [sflag:$0x1] =	stream.indirect_vreg.gather [hbm4b:s31+s26], $0x80, v2, vm0, $0xb8;
	[tilespmem:$0x8A00] =	vst v63  }
0xd6: {  	p0 =	sne.s32 s29, $0x6600;
	_ =	swait.ge [sflag:s24], $0x8800  }
.Ltmp1:
0xd7: {  	s31 =	rddreg [dreg:$0x4];
	[sflag:s24] =	ssyncset.done $0x0;
	(pc) =	sbr.rel @p0 .LBB2_4-.Ltmp1, $4  }
0xd8: {  	[sflag:s24] =	ssyncadd.s32 $0xFFFF7800;
	s0 =	sadd.s32 s30, s31  }
0xd9: {  	[hbm4b:s0+s26] =	stream.linear.scatter [tilespmem:s7], [sflag:$0x2], $0x8800, $0x38;
	[tilespmem:$0x8A00] =	vst v63  }
0xda: {  	_ =	swait.ge [sflag:s6], $0x8800  }
0xdb: {  	s29 =	sadd.s32 $0x1100, s29;
	[sflag:s6] =	ssyncset.done $0x0  }
0xdc: {  	[sflag:s6] =	ssyncadd.s32 $0xFFFF7800  }
0xdd: {  	v2 =	vld.msk [tilespmem:$0x100], $0xff;
	_ =	sdelay $0x4  }
0xde: {  	v3 =	vshrl.u32 v2, $0x3  }
0xdf: {  	v3 =	vmul.u32 $0x770, v3  }
0xe0: {  	v2 =	vand.u32 $0x7, v2  }
0xe1: {  	v2 =	vor.u32 v2, v3  }
0xe2: {  	v2 =	vperm.xlane v2, v0;
	_ =	sdelay $0x1  }
0xe3: {  	v2 =	vadd.s32 v1, v2;
	_ =	sdelay $0x3  }
0xe4: {  	s26 =	simm.s32 $0x0  }
0xe5: {  	[tilespmem:s7], [sflag:$0x1] =	stream.indirect_vreg.gather [hbm4b:s28+s26], $0x80, v2, vm0, $0xb8;
	[tilespmem:$0x8A00] =	vst v63  }
0xe6: {  	s0 =	rddreg [dreg:$0xa]  }
0xe7: {  	[tilespmem:s8], [sflag:$0x1] =	stream.indirect_vreg.gather [hbm4b:s0+s26], $0x80, v2, vm0, $0xb8;
	[tilespmem:$0x8A00] =	vst v63  }
0xe8: {  	s28 =	rddreg [dreg:$0xb]  }
0xe9: {  	[tilespmem:s9], [sflag:$0x1] =	stream.indirect_vreg.gather [hbm4b:s28+s26], $0x80, v2, vm0, $0xb8;
	[tilespmem:$0x8A00] =	vst v63  }
0xea: {  	s29 =	rddreg [dreg:$0xc]  }
0xeb: {  	[tilespmem:s10], [sflag:$0x1] =	stream.indirect_vreg.gather [hbm4b:s29+s26], $0x80, v2, vm0, $0xb8;
	[tilespmem:$0x8A00] =	vst v63  }
0xec: {  	s30 =	rddreg [dreg:$0xd]  }
0xed: {  	[tilespmem:s11], [sflag:$0x1] =	stream.indirect_vreg.gather [hbm4b:s30+s26], $0x80, v2, vm0, $0xb8;
	[tilespmem:$0x8A00] =	vst v63  }
0xee: {  	s31 =	rddreg [dreg:$0xe]  }
0xef: {  	[tilespmem:s12], [sflag:$0x1] =	stream.indirect_vreg.gather [hbm4b:s31+s26], $0x80, v2, vm0, $0xb8;
	[tilespmem:$0x8A00] =	vst v63  }
0xf0: {  	s28 =	rddreg [dreg:$0xf]  }
0xf1: {  	[tilespmem:s13], [sflag:$0x1] =	stream.indirect_vreg.gather [hbm4b:s28+s26], $0x80, v2, vm0, $0xb8;
	[tilespmem:$0x8A00] =	vst v63  }
0xf2: {  	s29 =	rddreg [dreg:$0x10]  }
0xf3: {  	[tilespmem:s14], [sflag:$0x1] =	stream.indirect_vreg.gather [hbm4b:s29+s26], $0x80, v2, vm0, $0xb8;
	[tilespmem:$0x8A00] =	vst v63  }
0xf4: {  	s30 =	rddreg [dreg:$0x11]  }
0xf5: {  	[tilespmem:s15], [sflag:$0x1] =	stream.indirect_vreg.gather [hbm4b:s30+s26], $0x80, v2, vm0, $0xb8;
	[tilespmem:$0x8A00] =	vst v63  }
0xf6: {  	s31 =	rddreg [dreg:$0x12]  }
0xf7: {  	[tilespmem:s16], [sflag:$0x1] =	stream.indirect_vreg.gather [hbm4b:s31+s26], $0x80, v2, vm0, $0xb8;
	[tilespmem:$0x8A00] =	vst v63  }
0xf8: {  	s28 =	rddreg [dreg:$0x13]  }
0xf9: {  	[tilespmem:s17], [sflag:$0x1] =	stream.indirect_vreg.gather [hbm4b:s28+s26], $0x80, v2, vm0, $0xb8;
	[tilespmem:$0x8A00] =	vst v63  }
0xfa: {  	s29 =	rddreg [dreg:$0x14]  }
0xfb: {  	[tilespmem:s18], [sflag:$0x1] =	stream.indirect_vreg.gather [hbm4b:s29+s26], $0x80, v2, vm0, $0xb8;
	[tilespmem:$0x8A00] =	vst v63  }
0xfc: {  	s30 =	rddreg [dreg:$0x15]  }
0xfd: {  	[tilespmem:s19], [sflag:$0x1] =	stream.indirect_vreg.gather [hbm4b:s30+s26], $0x80, v2, vm0, $0xb8;
	[tilespmem:$0x8A00] =	vst v63  }
0xfe: {  	_ = 	snop  }
0xff: {  	[tilespmem:s20], [sflag:$0x1] =	stream.indirect_vreg.gather [hbm4b:s1+s26], $0x80, v2, vm0, $0xb8;
	[tilespmem:$0x8A00] =	vst v63  }
0x100: {  	_ = 	snop  }
0x101: {  	[tilespmem:s21], [sflag:$0x1] =	stream.indirect_vreg.gather [hbm4b:s4+s26], $0x80, v2, vm0, $0xb8;
	[tilespmem:$0x8A00] =	vst v63  }
0x102: {  	_ = 	snop  }
0x103: {  	[tilespmem:s22], [sflag:$0x1] =	stream.indirect_vreg.gather [hbm4b:s5+s26], $0x80, v2, vm0, $0xb8;
	[tilespmem:$0x8A00] =	vst v63  }
0x104: {  	_ = 	snop  }
0x105: {  	[tilespmem:s23], [sflag:$0x1] =	stream.indirect_vreg.gather [hbm4b:s25+s26], $0x80, v2, vm0, $0xb8;
	[tilespmem:$0x8A00] =	vst v63  }
0x106: {  	_ =	swait.ge [sflag:s24], $0x8800  }
0x107: {  	s31 =	rddreg [dreg:$0x5];
	[sflag:s24] =	ssyncset.done $0x0  }
0x108: {  	[sflag:s24] =	ssyncadd.s32 $0xFFFF7800;
	s0 =	sadd.s32 $0x0, s31  }
0x109: {  	[hbm4b:s0+s26] =	stream.linear.scatter [tilespmem:s7], [sflag:$0x2], $0x8800, $0x38;
	[tilespmem:$0x8A00] =	vst v63  }
0x10a: {  	_ =	swait.ge [sflag:s6], $0x8800  }
0x10b: {  	s0 =	simm.s32 $0x1100;
	[sflag:s6] =	ssyncset.done $0x0  }
.LBB2_6:
0x10c: {  	[sflag:s6] =	ssyncadd.s32 $0xFFFF7800  }
0x10d: {  	v2 =	vld.msk [tilespmem:$0x100], $0xff;
	_ =	sdelay $0x4  }
0x10e: {  	v3 =	vshrl.u32 v2, $0x3  }
0x10f: {  	v3 =	vmul.u32 $0x770, v3  }
0x110: {  	v2 =	vand.u32 $0x7, v2  }
0x111: {  	v2 =	vor.u32 v2, v3  }
0x112: {  	v2 =	vperm.xlane v2, v0;
	_ =	sdelay $0x1  }
0x113: {  	v2 =	vadd.s32 v1, v2;
	_ =	sdelay $0x2  }
0x114: {  	s1 =	smov.u32 s0  }
0x115: {  	s4 =	sadd.s32 s1, s3  }
0x116: {  	[tilespmem:s7], [sflag:$0x1] =	stream.indirect_vreg.gather [hbm4b:s4+s26], $0x80, v2, vm0, $0xb8;
	[tilespmem:$0x8A00] =	vst v63  }
0x117: {  	s5 =	sadd.s32 $0x100, s4  }
0x118: {  	[tilespmem:s8], [sflag:$0x1] =	stream.indirect_vreg.gather [hbm4b:s5+s26], $0x80, v2, vm0, $0xb8;
	[tilespmem:$0x8A00] =	vst v63  }
0x119: {  	s25 =	sadd.s32 $0x200, s4  }
0x11a: {  	[tilespmem:s9], [sflag:$0x1] =	stream.indirect_vreg.gather [hbm4b:s25+s26], $0x80, v2, vm0, $0xb8;
	[tilespmem:$0x8A00] =	vst v63  }
0x11b: {  	s28 =	sadd.s32 $0x300, s4  }
0x11c: {  	[tilespmem:s10], [sflag:$0x1] =	stream.indirect_vreg.gather [hbm4b:s28+s26], $0x80, v2, vm0, $0xb8;
	[tilespmem:$0x8A00] =	vst v63  }
0x11d: {  	s29 =	sadd.s32 $0x400, s4  }
0x11e: {  	[tilespmem:s11], [sflag:$0x1] =	stream.indirect_vreg.gather [hbm4b:s29+s26], $0x80, v2, vm0, $0xb8;
	[tilespmem:$0x8A00] =	vst v63  }
0x11f: {  	s30 =	sadd.s32 $0x500, s4  }
0x120: {  	[tilespmem:s12], [sflag:$0x1] =	stream.indirect_vreg.gather [hbm4b:s30+s26], $0x80, v2, vm0, $0xb8;
	[tilespmem:$0x8A00] =	vst v63  }
0x121: {  	s31 =	sadd.s32 $0x600, s4  }
0x122: {  	[tilespmem:s13], [sflag:$0x1] =	stream.indirect_vreg.gather [hbm4b:s31+s26], $0x80, v2, vm0, $0xb8;
	[tilespmem:$0x8A00] =	vst v63  }
0x123: {  	s25 =	sadd.s32 $0x700, s4  }
0x124: {  	[tilespmem:s14], [sflag:$0x1] =	stream.indirect_vreg.gather [hbm4b:s25+s26], $0x80, v2, vm0, $0xb8;
	[tilespmem:$0x8A00] =	vst v63  }
0x125: {  	s28 =	sadd.s32 $0x800, s4  }
0x126: {  	[tilespmem:s15], [sflag:$0x1] =	stream.indirect_vreg.gather [hbm4b:s28+s26], $0x80, v2, vm0, $0xb8;
	[tilespmem:$0x8A00] =	vst v63  }
0x127: {  	s29 =	sadd.s32 $0x900, s4  }
0x128: {  	[tilespmem:s16], [sflag:$0x1] =	stream.indirect_vreg.gather [hbm4b:s29+s26], $0x80, v2, vm0, $0xb8;
	[tilespmem:$0x8A00] =	vst v63  }
0x129: {  	s30 =	sadd.s32 $0xA00, s4  }
0x12a: {  	[tilespmem:s17], [sflag:$0x1] =	stream.indirect_vreg.gather [hbm4b:s30+s26], $0x80, v2, vm0, $0xb8;
	[tilespmem:$0x8A00] =	vst v63  }
0x12b: {  	s31 =	sadd.s32 $0xB00, s4  }
0x12c: {  	[tilespmem:s18], [sflag:$0x1] =	stream.indirect_vreg.gather [hbm4b:s31+s26], $0x80, v2, vm0, $0xb8;
	[tilespmem:$0x8A00] =	vst v63  }
0x12d: {  	s25 =	sadd.s32 $0xC00, s4  }
0x12e: {  	[tilespmem:s19], [sflag:$0x1] =	stream.indirect_vreg.gather [hbm4b:s25+s26], $0x80, v2, vm0, $0xb8;
	[tilespmem:$0x8A00] =	vst v63  }
0x12f: {  	s28 =	sadd.s32 $0xD00, s4  }
0x130: {  	[tilespmem:s20], [sflag:$0x1] =	stream.indirect_vreg.gather [hbm4b:s28+s26], $0x80, v2, vm0, $0xb8;
	[tilespmem:$0x8A00] =	vst v63  }
0x131: {  	s29 =	sadd.s32 $0xE00, s4  }
0x132: {  	[tilespmem:s21], [sflag:$0x1] =	stream.indirect_vreg.gather [hbm4b:s29+s26], $0x80, v2, vm0, $0xb8;
	[tilespmem:$0x8A00] =	vst v63  }
0x133: {  	s30 =	sadd.s32 $0xF00, s4  }
0x134: {  	[tilespmem:s22], [sflag:$0x1] =	stream.indirect_vreg.gather [hbm4b:s30+s26], $0x80, v2, vm0, $0xb8;
	[tilespmem:$0x8A00] =	vst v63  }
0x135: {  	s4 =	sadd.s32 $0x1000, s4  }
0x136: {  	[tilespmem:s23], [sflag:$0x1] =	stream.indirect_vreg.gather [hbm4b:s4+s26], $0x80, v2, vm0, $0xb8;
	[tilespmem:$0x8A00] =	vst v63  }
0x137: {  	p0 =	sne.s32 s0, $0x6600;
	_ =	swait.ge [sflag:s24], $0x8800  }
.Ltmp2:
0x138: {  	s31 =	rddreg [dreg:$0x5];
	[sflag:s24] =	ssyncset.done $0x0;
	(pc) =	sbr.rel @p0 .LBB2_6-.Ltmp2, $4  }
0x139: {  	[sflag:s24] =	ssyncadd.s32 $0xFFFF7800;
	s1 =	sadd.s32 s1, s31  }
0x13a: {  	[hbm4b:s1+s26] =	stream.linear.scatter [tilespmem:s7], [sflag:$0x2], $0x8800, $0x38;
	[tilespmem:$0x8A00] =	vst v63  }
0x13b: {  	_ =	swait.ge [sflag:s6], $0x8800  }
0x13c: {  	s0 =	sadd.s32 $0x1100, s0;
	[sflag:s6] =	ssyncset.done $0x0  }
0x13d: {  	[sflag:s6] =	ssyncadd.s32 $0xFFFF7800  }
0x13e: {  	v2 =	vld.msk [tilespmem:$0x180], $0xff;
	_ =	sdelay $0x4  }
0x13f: {  	v3 =	vshrl.u32 v2, $0x3  }
0x140: {  	v3 =	vmul.u32 $0x770, v3  }
0x141: {  	v2 =	vand.u32 $0x7, v2  }
0x142: {  	v2 =	vor.u32 v2, v3  }
0x143: {  	v2 =	vperm.xlane v2, v0;
	_ =	sdelay $0x1  }
0x144: {  	v2 =	vadd.s32 v1, v2;
	_ =	sdelay $0x3  }
0x145: {  	s0 =	sadd.s32 $0x0, s3  }
0x146: {  	[tilespmem:s7], [sflag:$0x1] =	stream.indirect_vreg.gather [hbm4b:s0+s2], $0x80, v2, vm0, $0xb8;
	[tilespmem:$0x8A00] =	vst v63  }
0x147: {  	s1 =	sadd.s32 $0x100, s0  }
0x148: {  	[tilespmem:s8], [sflag:$0x1] =	stream.indirect_vreg.gather [hbm4b:s1+s2], $0x80, v2, vm0, $0xb8;
	[tilespmem:$0x8A00] =	vst v63  }
0x149: {  	s5 =	sadd.s32 $0x200, s0  }
0x14a: {  	[tilespmem:s9], [sflag:$0x1] =	stream.indirect_vreg.gather [hbm4b:s5+s2], $0x80, v2, vm0, $0xb8;
	[tilespmem:$0x8A00] =	vst v63  }
0x14b: {  	s25 =	sadd.s32 $0x300, s0  }
0x14c: {  	[tilespmem:s10], [sflag:$0x1] =	stream.indirect_vreg.gather [hbm4b:s25+s2], $0x80, v2, vm0, $0xb8;
	[tilespmem:$0x8A00] =	vst v63  }
0x14d: {  	s26 =	sadd.s32 $0x400, s0  }
0x14e: {  	[tilespmem:s11], [sflag:$0x1] =	stream.indirect_vreg.gather [hbm4b:s26+s2], $0x80, v2, vm0, $0xb8;
	[tilespmem:$0x8A00] =	vst v63  }
0x14f: {  	s28 =	sadd.s32 $0x500, s0  }
0x150: {  	[tilespmem:s12], [sflag:$0x1] =	stream.indirect_vreg.gather [hbm4b:s28+s2], $0x80, v2, vm0, $0xb8;
	[tilespmem:$0x8A00] =	vst v63  }
0x151: {  	s29 =	sadd.s32 $0x600, s0  }
0x152: {  	[tilespmem:s13], [sflag:$0x1] =	stream.indirect_vreg.gather [hbm4b:s29+s2], $0x80, v2, vm0, $0xb8;
	[tilespmem:$0x8A00] =	vst v63  }
0x153: {  	s30 =	sadd.s32 $0x700, s0  }
0x154: {  	[tilespmem:s14], [sflag:$0x1] =	stream.indirect_vreg.gather [hbm4b:s30+s2], $0x80, v2, vm0, $0xb8;
	[tilespmem:$0x8A00] =	vst v63  }
0x155: {  	s31 =	sadd.s32 $0x800, s0  }
0x156: {  	[tilespmem:s15], [sflag:$0x1] =	stream.indirect_vreg.gather [hbm4b:s31+s2], $0x80, v2, vm0, $0xb8;
	[tilespmem:$0x8A00] =	vst v63  }
0x157: {  	s4 =	sadd.s32 $0x900, s0  }
0x158: {  	[tilespmem:s16], [sflag:$0x1] =	stream.indirect_vreg.gather [hbm4b:s4+s2], $0x80, v2, vm0, $0xb8;
	[tilespmem:$0x8A00] =	vst v63  }
0x159: {  	s5 =	sadd.s32 $0xA00, s0  }
0x15a: {  	[tilespmem:s17], [sflag:$0x1] =	stream.indirect_vreg.gather [hbm4b:s5+s2], $0x80, v2, vm0, $0xb8;
	[tilespmem:$0x8A00] =	vst v63  }
0x15b: {  	s25 =	sadd.s32 $0xB00, s0  }
0x15c: {  	[tilespmem:s18], [sflag:$0x1] =	stream.indirect_vreg.gather [hbm4b:s25+s2], $0x80, v2, vm0, $0xb8;
	[tilespmem:$0x8A00] =	vst v63  }
0x15d: {  	s26 =	sadd.s32 $0xC00, s0  }
0x15e: {  	[tilespmem:s19], [sflag:$0x1] =	stream.indirect_vreg.gather [hbm4b:s26+s2], $0x80, v2, vm0, $0xb8;
	[tilespmem:$0x8A00] =	vst v63  }
0x15f: {  	s28 =	sadd.s32 $0xD00, s0  }
0x160: {  	[tilespmem:s20], [sflag:$0x1] =	stream.indirect_vreg.gather [hbm4b:s28+s2], $0x80, v2, vm0, $0xb8;
	[tilespmem:$0x8A00] =	vst v63  }
0x161: {  	s29 =	sadd.s32 $0xE00, s0  }
0x162: {  	[tilespmem:s21], [sflag:$0x1] =	stream.indirect_vreg.gather [hbm4b:s29+s2], $0x80, v2, vm0, $0xb8;
	[tilespmem:$0x8A00] =	vst v63  }
0x163: {  	s30 =	sadd.s32 $0xF00, s0  }
0x164: {  	[tilespmem:s22], [sflag:$0x1] =	stream.indirect_vreg.gather [hbm4b:s30+s2], $0x80, v2, vm0, $0xb8;
	[tilespmem:$0x8A00] =	vst v63  }
0x165: {  	s0 =	sadd.s32 $0x1000, s0  }
0x166: {  	[tilespmem:s23], [sflag:$0x1] =	stream.indirect_vreg.gather [hbm4b:s0+s2], $0x80, v2, vm0, $0xb8;
	[tilespmem:$0x8A00] =	vst v63  }
0x167: {  	_ =	swait.ge [sflag:s24], $0x8800  }
0x168: {  	s31 =	rddreg [dreg:$0x6];
	[sflag:s24] =	ssyncset.done $0x0  }
0x169: {  	[sflag:s24] =	ssyncadd.s32 $0xFFFF7800;
	s0 =	sadd.s32 $0x0, s31  }
0x16a: {  	[hbm4b:s0+s2] =	stream.linear.scatter [tilespmem:s7], [sflag:$0x2], $0x8800, $0x38;
	[tilespmem:$0x8A00] =	vst v63  }
0x16b: {  	_ =	swait.ge [sflag:s6], $0x8800  }
0x16c: {  	s0 =	simm.s32 $0x1100;
	[sflag:s6] =	ssyncset.done $0x0  }
.LBB2_8:
0x16d: {  	[sflag:s6] =	ssyncadd.s32 $0xFFFF7800  }
0x16e: {  	v2 =	vld.msk [tilespmem:$0x180], $0xff;
	_ =	sdelay $0x4  }
0x16f: {  	v3 =	vshrl.u32 v2, $0x3  }
0x170: {  	v3 =	vmul.u32 $0x770, v3  }
0x171: {  	v2 =	vand.u32 $0x7, v2  }
0x172: {  	v2 =	vor.u32 v2, v3  }
0x173: {  	v2 =	vperm.xlane v2, v0;
	_ =	sdelay $0x1  }
0x174: {  	v2 =	vadd.s32 v1, v2;
	_ =	sdelay $0x2  }
0x175: {  	s1 =	smov.u32 s0  }
0x176: {  	s4 =	sadd.s32 s1, s3  }
0x177: {  	[tilespmem:s7], [sflag:$0x1] =	stream.indirect_vreg.gather [hbm4b:s4+s2], $0x80, v2, vm0, $0xb8;
	[tilespmem:$0x8A00] =	vst v63  }
0x178: {  	s5 =	sadd.s32 $0x100, s4  }
0x179: {  	[tilespmem:s8], [sflag:$0x1] =	stream.indirect_vreg.gather [hbm4b:s5+s2], $0x80, v2, vm0, $0xb8;
	[tilespmem:$0x8A00] =	vst v63  }
0x17a: {  	s29 =	sadd.s32 $0x200, s4  }
0x17b: {  	[tilespmem:s9], [sflag:$0x1] =	stream.indirect_vreg.gather [hbm4b:s29+s2], $0x80, v2, vm0, $0xb8;
	[tilespmem:$0x8A00] =	vst v63  }
0x17c: {  	s30 =	sadd.s32 $0x300, s4  }
0x17d: {  	[tilespmem:s10], [sflag:$0x1] =	stream.indirect_vreg.gather [hbm4b:s30+s2], $0x80, v2, vm0, $0xb8;
	[tilespmem:$0x8A00] =	vst v63  }
0x17e: {  	s31 =	sadd.s32 $0x400, s4  }
0x17f: {  	[tilespmem:s11], [sflag:$0x1] =	stream.indirect_vreg.gather [hbm4b:s31+s2], $0x80, v2, vm0, $0xb8;
	[tilespmem:$0x8A00] =	vst v63  }
0x180: {  	s25 =	sadd.s32 $0x500, s4  }
0x181: {  	[tilespmem:s12], [sflag:$0x1] =	stream.indirect_vreg.gather [hbm4b:s25+s2], $0x80, v2, vm0, $0xb8;
	[tilespmem:$0x8A00] =	vst v63  }
0x182: {  	s26 =	sadd.s32 $0x600, s4  }
0x183: {  	[tilespmem:s13], [sflag:$0x1] =	stream.indirect_vreg.gather [hbm4b:s26+s2], $0x80, v2, vm0, $0xb8;
	[tilespmem:$0x8A00] =	vst v63  }
0x184: {  	s28 =	sadd.s32 $0x700, s4  }
0x185: {  	[tilespmem:s14], [sflag:$0x1] =	stream.indirect_vreg.gather [hbm4b:s28+s2], $0x80, v2, vm0, $0xb8;
	[tilespmem:$0x8A00] =	vst v63  }
0x186: {  	s29 =	sadd.s32 $0x800, s4  }
0x187: {  	[tilespmem:s15], [sflag:$0x1] =	stream.indirect_vreg.gather [hbm4b:s29+s2], $0x80, v2, vm0, $0xb8;
	[tilespmem:$0x8A00] =	vst v63  }
0x188: {  	s30 =	sadd.s32 $0x900, s4  }
0x189: {  	[tilespmem:s16], [sflag:$0x1] =	stream.indirect_vreg.gather [hbm4b:s30+s2], $0x80, v2, vm0, $0xb8;
	[tilespmem:$0x8A00] =	vst v63  }
0x18a: {  	s31 =	sadd.s32 $0xA00, s4  }
0x18b: {  	[tilespmem:s17], [sflag:$0x1] =	stream.indirect_vreg.gather [hbm4b:s31+s2], $0x80, v2, vm0, $0xb8;
	[tilespmem:$0x8A00] =	vst v63  }
0x18c: {  	s25 =	sadd.s32 $0xB00, s4  }
0x18d: {  	[tilespmem:s18], [sflag:$0x1] =	stream.indirect_vreg.gather [hbm4b:s25+s2], $0x80, v2, vm0, $0xb8;
	[tilespmem:$0x8A00] =	vst v63  }
0x18e: {  	s26 =	sadd.s32 $0xC00, s4  }
0x18f: {  	[tilespmem:s19], [sflag:$0x1] =	stream.indirect_vreg.gather [hbm4b:s26+s2], $0x80, v2, vm0, $0xb8;
	[tilespmem:$0x8A00] =	vst v63  }
0x190: {  	s28 =	sadd.s32 $0xD00, s4  }
0x191: {  	[tilespmem:s20], [sflag:$0x1] =	stream.indirect_vreg.gather [hbm4b:s28+s2], $0x80, v2, vm0, $0xb8;
	[tilespmem:$0x8A00] =	vst v63  }
0x192: {  	s29 =	sadd.s32 $0xE00, s4  }
0x193: {  	[tilespmem:s21], [sflag:$0x1] =	stream.indirect_vreg.gather [hbm4b:s29+s2], $0x80, v2, vm0, $0xb8;
	[tilespmem:$0x8A00] =	vst v63  }
0x194: {  	s30 =	sadd.s32 $0xF00, s4  }
0x195: {  	[tilespmem:s22], [sflag:$0x1] =	stream.indirect_vreg.gather [hbm4b:s30+s2], $0x80, v2, vm0, $0xb8;
	[tilespmem:$0x8A00] =	vst v63  }
0x196: {  	s4 =	sadd.s32 $0x1000, s4  }
0x197: {  	[tilespmem:s23], [sflag:$0x1] =	stream.indirect_vreg.gather [hbm4b:s4+s2], $0x80, v2, vm0, $0xb8;
	[tilespmem:$0x8A00] =	vst v63  }
0x198: {  	p0 =	sne.s32 s0, $0x6600;
	_ =	swait.ge [sflag:s24], $0x8800  }
.Ltmp3:
0x199: {  	s31 =	rddreg [dreg:$0x6];
	[sflag:s24] =	ssyncset.done $0x0;
	(pc) =	sbr.rel @p0 .LBB2_8-.Ltmp3, $4  }
0x19a: {  	[sflag:s24] =	ssyncadd.s32 $0xFFFF7800;
	s1 =	sadd.s32 s1, s31  }
0x19b: {  	[hbm4b:s1+s2] =	stream.linear.scatter [tilespmem:s7], [sflag:$0x2], $0x8800, $0x38;
	[tilespmem:$0x8A00] =	vst v63  }
0x19c: {  	_ =	swait.ge [sflag:s6], $0x8800  }
0x19d: {  	s0 =	sadd.s32 $0x1100, s0;
	[sflag:s6] =	ssyncset.done $0x0  }
0x19e: {  	s1 =	rddreg [dreg:$0x9]  }
0x19f: {  	s0 =	rddreg [dreg:$0x8];
	s1 =	sadd.s32 $0x1, s1  }
0x1a0: {  	p0 =	sne.s32 s1, s0  }
.Ltmp4:
0x1a1: {  	_ = 	snop;
	(pc) =	sbr.rel @p0 .LBB2_1-.Ltmp4, $2  }
0x1a2: {  	_ =	sdelay $0x2  }
0x1a3: {  	[sflag:s6] =	ssyncadd.s32 $0xFFFF7800  }
0x1a4: {  	_ =	sfence.sel $0x180000  }
0x1a5: {  	[bflag:$0x0] =	sbarrier.arrive $0xFFFF  }
0x1a6: {  	_ =	strace $0x90000047  }
0x1a7: {  	s0 =	stileid.u32;
	[bflag:$0x2] =	sbarrier.arrive $0xFFFF  }
0x1a8: {  	p0 =	sne.s32 s0, $0x0;
	s0 =	rddreg [dreg:$0x2]  }
0x1a9: {  	s0 =	sadd.s32 @!p0 $0x100000, s0  }
0x1aa: {  	[sflag:s0] =	ssyncadd.tile.s32 @!p0 $0x1;
	_ =	shalt  }
.Lfunc_end2:
_tile_overlayer_lowered:
.L_overlay_start_2:
0x1ab: {  	(tag) =	ssettag $0x2  }
0x1ac: {  	s0 =	rddreg [dreg:$0x0];
	s2 =	stileid.u32  }
0x1ad: {  	s1 =	rddreg [dreg:$0x1];
	p0 =	sne.s32 s2, $0x0  }
0x1ae: {  	s3 =	rddreg [dreg:$0x2];
	[bflag:$0x3] =	sbarrier.arrive $0xFFFF;
	s2 =	simm.s32 @!p0 $0x1C02  }
0x1af: {  	[timem:s3], [sflag:s2] =	dma.local @!p0 [hbm:s0], s1  }
0x1b0: {  	s0 =	simm.s32 @!p0 $0x2  }
0x1b1: {  	_ =	swait.ge @!p0 [sflag:s0], s1  }
0x1b2: {  	s1 =	ssub.s32 @!p0 $0x0, s1;
	[sflag:s0] =	ssyncset.done @!p0 $0x0  }
0x1b3: {  	[sflag:s0] =	ssyncadd.s32 @!p0 s1  }
0x1b4: {  	[bflag:$0x3] =	sbarrier.arrive $0xFFFF  }
0x1b5: {  	_ =	shalt  }

</sc_bundles>
